<compile_context>
chip_gen: v7x
topology: tpu7x:2x2x1
jax: 0.10.2.dev20260603
libtpu: 0.0.44.dev20260713+nightly
codegen_flags: <defaults>
</compile_context>

<pallas_src>
import functools

import jax
import jax.numpy as jnp
from jax import lax
from jax.experimental import pallas as pl
from jax.experimental.pallas import tpu as pltpu
from jax.experimental.pallas import tpu_sc as plsc

NC, NS, LANES = 2, 16, 16
NW = NC * NS
B, L = 16, 4096
TOKS = B * L
TPT = TOKS // NW


def _i32(x):
    return jnp.int32(x)


def _f32(x):
    return jnp.float32(x)


def _logf(v):
    iv = lax.bitcast_convert_type(v, jnp.int32)
    e = (iv >> _i32(23)) - _i32(126)
    m = lax.bitcast_convert_type((iv & _i32(0x007FFFFF)) | _i32(0x3F000000),
                                 jnp.float32)
    c = m < _f32(0.70710678)
    e = e - jnp.where(c, _i32(1), _i32(0))
    ef = e.astype(jnp.float32)
    x = jnp.where(c, m + m, m) - _f32(1.0)
    z = x * x
    p = _f32(7.0376836292e-2)
    for coef in (-1.1514610310e-1, 1.1676998740e-1, -1.2420140846e-1,
                 1.4249322787e-1, -1.6668057665e-1, 2.0000714765e-1,
                 -2.4999993993e-1, 3.3333331174e-1):
        p = p * x + _f32(coef)
    y = p * x * z
    y = y + ef * _f32(-2.12194440e-4)
    y = y - _f32(0.5) * z
    return x + y + ef * _f32(0.693359375)


@functools.partial(
    pl.kernel,
    mesh=plsc.VectorSubcoreMesh(core_axis_name="c", subcore_axis_name="s"),
    out_type=jax.ShapeDtypeStruct((NW, LANES), jnp.float32),
    scratch_types=[
        pltpu.VMEM((TPT,), jnp.float32),
        pltpu.VMEM((TPT,), jnp.float32),
        pltpu.VMEM((TPT,), jnp.float32),
        pltpu.VMEM((TPT,), jnp.float32),
        pltpu.VMEM((LANES,), jnp.int32),
        pltpu.VMEM((LANES,), jnp.int32),
        pltpu.VMEM((LANES,), jnp.float32),
        pltpu.SemaphoreType.DMA,
    ],
)
def _sc_masked_logsum(ytp_hbm, dl_hbm, out_hbm, yt0_v, yt1_v, yp0_v, yp1_v,
                      idx_v, dlb_v, res_v, sem):
    wid = lax.axis_index("s") * NC + lax.axis_index("c")
    doc = wid >> _i32(1)
    tok0 = (wid & _i32(1)) * _i32(TPT)
    col = doc * _i32(L) + tok0

    cps = [
        pltpu.async_copy(ytp_hbm.at[pl.ds(_i32(k * TOKS) + col, TPT)], dst,
                         sem)
        for k, dst in enumerate((yt0_v, yt1_v, yp0_v, yp1_v))
    ]
    idx_v[...] = jnp.full((LANES,), doc, jnp.int32)
    gcp = pltpu.async_copy(dl_hbm.at[idx_v], dlb_v, sem)
    for cp in cps:
        cp.wait()
    gcp.wait()

    dlb = dlb_v[...]
    iota = lax.iota(jnp.int32, LANES)

    UNROLL = 4
    one = _f32(1.0)

    def step(k, acc):
        base = k * _i32(UNROLL * LANES)
        prods = []
        for u in range(UNROLL):
            off = base + _i32(u * LANES)
            tok = (tok0 + off) + iota
            valid = tok < dlb
            a = jnp.where(valid & (yt0_v[pl.ds(off, LANES)] == one),
                          yp0_v[pl.ds(off, LANES)], one)
            b = jnp.where(valid & (yt1_v[pl.ds(off, LANES)] == one),
                          yp1_v[pl.ds(off, LANES)], one)
            prods.append(a * b)
        return acc + _logf(prods[0] * prods[1]) + _logf(prods[2] * prods[3])

    acc = lax.fori_loop(_i32(0), _i32(TPT // (UNROLL * LANES)), step,
                        jnp.zeros((LANES,), jnp.float32))
    res_v[...] = acc
    pltpu.sync_copy(res_v, out_hbm.at[wid])


def kernel(y_true, y_pred, doc_len):
    ytp = jnp.stack([y_true, y_pred]).transpose(0, 3, 1, 2).reshape(-1)
    dl = doc_len.astype(jnp.int32)
    partial = _sc_masked_logsum(ytp, dl)
    total = jnp.sum(partial.astype(jnp.float64))
    denom = jnp.sum(doc_len).astype(jnp.float64)
    return -total / denom

# --- scband reference (transcript-rebuilt; emitter-appended) ---
"""Pipeline reference for scband-ce-loss-aux-72499047956668 (READ-ONLY COPY).

The authoritative reference and input builder live on the scoring server;
editing this copy changes nothing except your own understanding.
"""

import jax, jax.numpy as jnp
import numpy as np
jax.config.update("jax_enable_x64", True)


def setup_inputs(seed: int = 0) -> dict:
    key = jax.random.key(seed)
    k1, k2, k3 = jax.random.split(key, 3)
    B, L = 16, 4096
    # y_true: per-token indicator values in {0.0, 1.0} for each of 2 classes
    y_true = jax.random.randint(k1, (B, L, 2), 0, 2).astype(jnp.float32)
    # y_pred: probabilities in (0, 1) so log is finite
    y_pred = jax.random.uniform(k2, (B, L, 2), dtype=jnp.float32, minval=1e-6, maxval=1.0)
    doc_len = jax.random.randint(k3, (B,), 0, 4096).astype(jnp.int64)
    return {"y_true": y_true, "y_pred": y_pred, "doc_len": doc_len}


def reference(y_true, y_pred, doc_len):
    # Faithful vectorized translation of the per-doc python loop:
    # for each doc i, over the first doc_len[i] tokens,
    #   pos_loss = -sum(log(p[:,1]) where y_true[:,1]==1)
    #   neg_loss = -sum(log(p[:,0]) where y_true[:,0]==1) * diminish_factor
    # loss = sum_i(pos+neg) / sum(doc_len)
    diminish_factor = 1.0
    B, L, _ = y_pred.shape
    yp = y_pred.astype(jnp.float64)
    valid = (jnp.arange(L)[None, :] < doc_len[:, None]).astype(jnp.float64)
    pos_mask = (y_true[..., 1] == 1.0).astype(jnp.float64) * valid
    neg_mask = (y_true[..., 0] == 1.0).astype(jnp.float64) * valid
    pos_loss = -jnp.sum(jnp.log(yp[..., 1]) * pos_mask)
    neg_loss = -jnp.sum(jnp.log(yp[..., 0]) * neg_mask) * diminish_factor
    loss = (pos_loss + neg_loss) / jnp.sum(doc_len).astype(jnp.float64)
    return loss

if __name__ == "__main__":
    import jax
    _d = setup_inputs()
    print(jax.jit(kernel)(*tuple(_d.values())))

</pallas_src>

<mosaic_0001>
#map = affine_map<(d0, d1) -> (0)>
#map1 = affine_map<(d0, d1) -> (0, 0)>
module attributes {stable_mosaic.version = 14 : i64} {
  func.func @_sc_masked_logsum(%arg0: i32, %arg1: i32, %arg2: memref<262144xf32, #tpu.memory_space<hbm>>, %arg3: memref<16xi32, #tpu.memory_space<hbm>>, %arg4: memref<32x16xf32, #tpu.memory_space<hbm>>, %arg5: memref<2048xf32, #tpu.memory_space<vmem>>, %arg6: memref<2048xf32, #tpu.memory_space<vmem>>, %arg7: memref<2048xf32, #tpu.memory_space<vmem>>, %arg8: memref<2048xf32, #tpu.memory_space<vmem>>, %arg9: memref<16xi32, #tpu.memory_space<vmem>>, %arg10: memref<16xi32, #tpu.memory_space<vmem>>, %arg11: memref<16xf32, #tpu.memory_space<vmem>>, %arg12: memref<!tpu.dma_semaphore, #tpu.memory_space<semaphore_mem>>) attributes {dimension_semantics = [#tpu.dimension_semantics<core_parallel>, #tpu.dimension_semantics<subcore_parallel>], iteration_bounds = array<i64: 2, 16>, scalar_prefetch = 0 : i64, scratch_operands = 8 : i64, tpu.core_type = #tpu.core_type<sc_vector_subcore>, window_params = [{transform_indices = #map}, {transform_indices = #map}, {transform_indices = #map1}]} {
    %mul3A = arith.constant 2 : i32
    %mul3A_0 = arith.muli %arg1, %mul3A : i32
    %add3A = arith.addi %mul3A_0, %arg0 : i32
    %shift_right_arithmetic3A = arith.constant 1 : i32
    %shift_right_arithmetic3A_1 = arith.shrsi %add3A, %shift_right_arithmetic3A : i32
    %and3A = arith.constant 1 : i32
    %and3A_2 = arith.andi %add3A, %and3A : i32
    %mul3A_3 = arith.constant 2048 : i32
    %mul3A_4 = arith.muli %and3A_2, %mul3A_3 : i32
    %mul3A_5 = arith.constant 4096 : i32
    %mul3A_6 = arith.muli %shift_right_arithmetic3A_1, %mul3A_5 : i32
    %add3A_7 = arith.addi %mul3A_6, %mul3A_4 : i32
    %add3A_8 = arith.constant 0 : i32
    %add3A_9 = arith.addi %add3A_8, %add3A_7 : i32
    %dma_start3A = tpu.memref_slice %arg2[%add3A_9] : memref<262144xf32, #tpu.memory_space<hbm>> -> memref<2048xf32, #tpu.memory_space<hbm>>
    %dma_start3A_10 = tpu.memref_slice %arg2[%add3A_9] : memref<262144xf32, #tpu.memory_space<hbm>> -> memref<2048xf32, #tpu.memory_space<hbm>>
    tpu.enqueue_dma source(%dma_start3A_10 : memref<2048xf32, #tpu.memory_space<hbm>>) target(%arg5 : memref<2048xf32, #tpu.memory_space<vmem>>) target_semaphore(%arg12 : memref<!tpu.dma_semaphore, #tpu.memory_space<semaphore_mem>>)
    %add3A_11 = arith.constant 65536 : i32
    %add3A_12 = arith.addi %add3A_11, %add3A_7 : i32
    %dma_start3A_13 = tpu.memref_slice %arg2[%add3A_12] : memref<262144xf32, #tpu.memory_space<hbm>> -> memref<2048xf32, #tpu.memory_space<hbm>>
    %dma_start3A_14 = tpu.memref_slice %arg2[%add3A_12] : memref<262144xf32, #tpu.memory_space<hbm>> -> memref<2048xf32, #tpu.memory_space<hbm>>
    tpu.enqueue_dma source(%dma_start3A_14 : memref<2048xf32, #tpu.memory_space<hbm>>) target(%arg6 : memref<2048xf32, #tpu.memory_space<vmem>>) target_semaphore(%arg12 : memref<!tpu.dma_semaphore, #tpu.memory_space<semaphore_mem>>)
    %add3A_15 = arith.constant 131072 : i32
    %add3A_16 = arith.addi %add3A_15, %add3A_7 : i32
    %dma_start3A_17 = tpu.memref_slice %arg2[%add3A_16] : memref<262144xf32, #tpu.memory_space<hbm>> -> memref<2048xf32, #tpu.memory_space<hbm>>
    %dma_start3A_18 = tpu.memref_slice %arg2[%add3A_16] : memref<262144xf32, #tpu.memory_space<hbm>> -> memref<2048xf32, #tpu.memory_space<hbm>>
    tpu.enqueue_dma source(%dma_start3A_18 : memref<2048xf32, #tpu.memory_space<hbm>>) target(%arg7 : memref<2048xf32, #tpu.memory_space<vmem>>) target_semaphore(%arg12 : memref<!tpu.dma_semaphore, #tpu.memory_space<semaphore_mem>>)
    %add3A_19 = arith.constant 196608 : i32
    %add3A_20 = arith.addi %add3A_19, %add3A_7 : i32
    %dma_start3A_21 = tpu.memref_slice %arg2[%add3A_20] : memref<262144xf32, #tpu.memory_space<hbm>> -> memref<2048xf32, #tpu.memory_space<hbm>>
    %dma_start3A_22 = tpu.memref_slice %arg2[%add3A_20] : memref<262144xf32, #tpu.memory_space<hbm>> -> memref<2048xf32, #tpu.memory_space<hbm>>
    tpu.enqueue_dma source(%dma_start3A_22 : memref<2048xf32, #tpu.memory_space<hbm>>) target(%arg8 : memref<2048xf32, #tpu.memory_space<vmem>>) target_semaphore(%arg12 : memref<!tpu.dma_semaphore, #tpu.memory_space<semaphore_mem>>)
    %broadcast_in_dim3A = vector.broadcast %shift_right_arithmetic3A_1 : i32 to vector<16xi32>
    %swap3A = arith.constant 0 : index
    %swap3A_23 = tpu.vector_load %arg9[%swap3A] {strides = array<i32>} : memref<16xi32, #tpu.memory_space<vmem>>, vector<16xi32>,
    %swap3A_24 = vector.shape_cast %swap3A_23 : vector<16xi32> to vector<16xi32>
    %swap3A_25 = vector.shape_cast %broadcast_in_dim3A : vector<16xi32> to vector<16xi32>
    tpu.vector_store %arg9[%swap3A], %swap3A_25 {strides = array<i32>} : memref<16xi32, #tpu.memory_space<vmem>>, vector<16xi32>,
    %dma_start3A_26 = arith.constant 0 : i32
    %dma_start3A_27 = tpu.memref_slice %arg3[%dma_start3A_26] : memref<16xi32, #tpu.memory_space<hbm>> -> memref<16xi32, #tpu.memory_space<hbm>>
    tpu.enqueue_indirect_dma source(%dma_start3A_27 : memref<16xi32, #tpu.memory_space<hbm>>) target(%arg10 : memref<16xi32, #tpu.memory_space<vmem>>) offsets(%arg9 : memref<16xi32, #tpu.memory_space<vmem>>) semaphore(%arg12 : memref<!tpu.dma_semaphore, #tpu.memory_space<semaphore_mem>>)
    %dma_wait3A = tpu.memref_slice %arg2[%add3A_9] : memref<262144xf32, #tpu.memory_space<hbm>> -> memref<2048xf32, #tpu.memory_space<hbm>>
    %dma_wait3A_28 = tpu.memref_slice %arg2[%add3A_9] : memref<262144xf32, #tpu.memory_space<hbm>> -> memref<2048xf32, #tpu.memory_space<hbm>>
    tpu.wait_dma2 semaphore(%arg12 : memref<!tpu.dma_semaphore, #tpu.memory_space<semaphore_mem>>) src(%dma_wait3A_28 : memref<2048xf32, #tpu.memory_space<hbm>>) dst(%arg5 : memref<2048xf32, #tpu.memory_space<vmem>>)
    %dma_wait3A_29 = tpu.memref_slice %arg2[%add3A_12] : memref<262144xf32, #tpu.memory_space<hbm>> -> memref<2048xf32, #tpu.memory_space<hbm>>
    %dma_wait3A_30 = tpu.memref_slice %arg2[%add3A_12] : memref<262144xf32, #tpu.memory_space<hbm>> -> memref<2048xf32, #tpu.memory_space<hbm>>
    tpu.wait_dma2 semaphore(%arg12 : memref<!tpu.dma_semaphore, #tpu.memory_space<semaphore_mem>>) src(%dma_wait3A_30 : memref<2048xf32, #tpu.memory_space<hbm>>) dst(%arg6 : memref<2048xf32, #tpu.memory_space<vmem>>)
    %dma_wait3A_31 = tpu.memref_slice %arg2[%add3A_16] : memref<262144xf32, #tpu.memory_space<hbm>> -> memref<2048xf32, #tpu.memory_space<hbm>>
    %dma_wait3A_32 = tpu.memref_slice %arg2[%add3A_16] : memref<262144xf32, #tpu.memory_space<hbm>> -> memref<2048xf32, #tpu.memory_space<hbm>>
    tpu.wait_dma2 semaphore(%arg12 : memref<!tpu.dma_semaphore, #tpu.memory_space<semaphore_mem>>) src(%dma_wait3A_32 : memref<2048xf32, #tpu.memory_space<hbm>>) dst(%arg7 : memref<2048xf32, #tpu.memory_space<vmem>>)
    %dma_wait3A_33 = tpu.memref_slice %arg2[%add3A_20] : memref<262144xf32, #tpu.memory_space<hbm>> -> memref<2048xf32, #tpu.memory_space<hbm>>
    %dma_wait3A_34 = tpu.memref_slice %arg2[%add3A_20] : memref<262144xf32, #tpu.memory_space<hbm>> -> memref<2048xf32, #tpu.memory_space<hbm>>
    tpu.wait_dma2 semaphore(%arg12 : memref<!tpu.dma_semaphore, #tpu.memory_space<semaphore_mem>>) src(%dma_wait3A_34 : memref<2048xf32, #tpu.memory_space<hbm>>) dst(%arg8 : memref<2048xf32, #tpu.memory_space<vmem>>)
    %dma_wait3A_35 = arith.constant 0 : i32
    %dma_wait3A_36 = tpu.memref_slice %arg3[%dma_wait3A_35] : memref<16xi32, #tpu.memory_space<hbm>> -> memref<16xi32, #tpu.memory_space<hbm>>
    tpu.wait_indirect_dma semaphore(%arg12 : memref<!tpu.dma_semaphore, #tpu.memory_space<semaphore_mem>>) src(%dma_wait3A_36 : memref<16xi32, #tpu.memory_space<hbm>>) dst(%arg10 : memref<16xi32, #tpu.memory_space<vmem>>)
    %get3A = arith.constant 0 : index
    %get3A_37 = tpu.vector_load %arg10[%get3A] {strides = array<i32>} : memref<16xi32, #tpu.memory_space<vmem>>, vector<16xi32>,
    %get3A_38 = vector.shape_cast %get3A_37 : vector<16xi32> to vector<16xi32>
    %iota3A = tpu.iota {dimensions = array<i32: 0>} : vector<16xi32>
    %broadcast_in_dim3A_39 = arith.constant 0.000000e+00 : f32
    %broadcast_in_dim3A_40 = vector.broadcast %broadcast_in_dim3A_39 : f32 to vector<16xf32>
    %while3A = arith.constant 1.000000e+00 : f32
    %while3A_41 = arith.constant 0 : i32
    %while3A_42 = arith.constant 32 : i32
    %while3A_43 = arith.subi %while3A_42, %while3A_41 : i32
    %while3A_44 = arith.addi %while3A_41, %while3A_43 : i32
    %while3A_45 = arith.constant 1 : i32
    %while3A_46 = arith.divsi %while3A_43, %while3A_45 : i32
    %while3A_47 = arith.muli %while3A_46, %while3A_45 : i32
    %while3A_48 = arith.addi %while3A_41, %while3A_47 : i32
    %while3A_49 = arith.constant 1 : i32
    %while3A_50 = scf.for %while3A_57 = %while3A_41 to %while3A_48 step %while3A_49 iter_args(%while3A_58 = %broadcast_in_dim3A_40) -> (vector<16xf32>)  : i32 {
      %mul3A_59 = arith.constant 64 : i32
      %mul3A_60 = arith.muli %while3A_57, %mul3A_59 : i32
      %add3A_61 = arith.constant 0 : i32
      %add3A_62 = arith.addi %mul3A_60, %add3A_61 : i32
      %add3A_63 = arith.addi %mul3A_4, %add3A_62 : i32
      %add3A_64 = vector.broadcast %add3A_63 : i32 to vector<16xi32>
      %add3A_65 = arith.addi %add3A_64, %iota3A : vector<16xi32>
      %lt3A = arith.cmpi slt, %add3A_65, %get3A_38 : vector<16xi32>
      %get3A_66 = arith.index_cast %add3A_62 : i32 to index
      %get3A_67 = tpu.vector_load %arg5[%get3A_66] {strides = array<i32>} : memref<2048xf32, #tpu.memory_space<vmem>>, vector<16xf32>,
      %get3A_68 = vector.shape_cast %get3A_67 : vector<16xf32> to vector<16xf32>
      %eq3A = vector.broadcast %while3A : f32 to vector<16xf32>
      %eq3A_69 = arith.cmpf oeq, %get3A_68, %eq3A : vector<16xf32>
      %and3A_70 = arith.andi %lt3A, %eq3A_69 : vector<16xi1>
      %get3A_71 = arith.index_cast %add3A_62 : i32 to index
      %get3A_72 = tpu.vector_load %arg7[%get3A_71] {strides = array<i32>} : memref<2048xf32, #tpu.memory_space<vmem>>, vector<16xf32>,
      %get3A_73 = vector.shape_cast %get3A_72 : vector<16xf32> to vector<16xf32>
      %broadcast_in_dim3A_74 = vector.broadcast %while3A : f32 to vector<16xf32>
      %select_n3A = arith.select %and3A_70, %get3A_73, %broadcast_in_dim3A_74 : vector<16xi1>, vector<16xf32>
      %get3A_75 = arith.index_cast %add3A_62 : i32 to index
      %get3A_76 = tpu.vector_load %arg6[%get3A_75] {strides = array<i32>} : memref<2048xf32, #tpu.memory_space<vmem>>, vector<16xf32>,
      %get3A_77 = vector.shape_cast %get3A_76 : vector<16xf32> to vector<16xf32>
      %eq3A_78 = vector.broadcast %while3A : f32 to vector<16xf32>
      %eq3A_79 = arith.cmpf oeq, %get3A_77, %eq3A_78 : vector<16xf32>
      %and3A_80 = arith.andi %lt3A, %eq3A_79 : vector<16xi1>
      %get3A_81 = arith.index_cast %add3A_62 : i32 to index
      %get3A_82 = tpu.vector_load %arg8[%get3A_81] {strides = array<i32>} : memref<2048xf32, #tpu.memory_space<vmem>>, vector<16xf32>,
      %get3A_83 = vector.shape_cast %get3A_82 : vector<16xf32> to vector<16xf32>
      %broadcast_in_dim3A_84 = vector.broadcast %while3A : f32 to vector<16xf32>
      %select_n3A_85 = arith.select %and3A_80, %get3A_83, %broadcast_in_dim3A_84 : vector<16xi1>, vector<16xf32>
      %mul3A_86 = arith.mulf %select_n3A, %select_n3A_85 : vector<16xf32>
      %add3A_87 = arith.constant 16 : i32
      %add3A_88 = arith.addi %mul3A_60, %add3A_87 : i32
      %add3A_89 = arith.addi %mul3A_4, %add3A_88 : i32
      %add3A_90 = vector.broadcast %add3A_89 : i32 to vector<16xi32>
      %add3A_91 = arith.addi %add3A_90, %iota3A : vector<16xi32>
      %lt3A_92 = arith.cmpi slt, %add3A_91, %get3A_38 : vector<16xi32>
      %get3A_93 = arith.index_cast %add3A_88 : i32 to index
      %get3A_94 = tpu.vector_load %arg5[%get3A_93] {strides = array<i32>} : memref<2048xf32, #tpu.memory_space<vmem>>, vector<16xf32>,
      %get3A_95 = vector.shape_cast %get3A_94 : vector<16xf32> to vector<16xf32>
      %eq3A_96 = vector.broadcast %while3A : f32 to vector<16xf32>
      %eq3A_97 = arith.cmpf oeq, %get3A_95, %eq3A_96 : vector<16xf32>
      %and3A_98 = arith.andi %lt3A_92, %eq3A_97 : vector<16xi1>
      %get3A_99 = arith.index_cast %add3A_88 : i32 to index
      %get3A_100 = tpu.vector_load %arg7[%get3A_99] {strides = array<i32>} : memref<2048xf32, #tpu.memory_space<vmem>>, vector<16xf32>,
      %get3A_101 = vector.shape_cast %get3A_100 : vector<16xf32> to vector<16xf32>
      %broadcast_in_dim3A_102 = vector.broadcast %while3A : f32 to vector<16xf32>
      %select_n3A_103 = arith.select %and3A_98, %get3A_101, %broadcast_in_dim3A_102 : vector<16xi1>, vector<16xf32>
      %get3A_104 = arith.index_cast %add3A_88 : i32 to index
      %get3A_105 = tpu.vector_load %arg6[%get3A_104] {strides = array<i32>} : memref<2048xf32, #tpu.memory_space<vmem>>, vector<16xf32>,
      %get3A_106 = vector.shape_cast %get3A_105 : vector<16xf32> to vector<16xf32>
      %eq3A_107 = vector.broadcast %while3A : f32 to vector<16xf32>
      %eq3A_108 = arith.cmpf oeq, %get3A_106, %eq3A_107 : vector<16xf32>
      %and3A_109 = arith.andi %lt3A_92, %eq3A_108 : vector<16xi1>
      %get3A_110 = arith.index_cast %add3A_88 : i32 to index
      %get3A_111 = tpu.vector_load %arg8[%get3A_110] {strides = array<i32>} : memref<2048xf32, #tpu.memory_space<vmem>>, vector<16xf32>,
      %get3A_112 = vector.shape_cast %get3A_111 : vector<16xf32> to vector<16xf32>
      %broadcast_in_dim3A_113 = vector.broadcast %while3A : f32 to vector<16xf32>
      %select_n3A_114 = arith.select %and3A_109, %get3A_112, %broadcast_in_dim3A_113 : vector<16xi1>, vector<16xf32>
      %mul3A_115 = arith.mulf %select_n3A_103, %select_n3A_114 : vector<16xf32>
      %add3A_116 = arith.constant 32 : i32
      %add3A_117 = arith.addi %mul3A_60, %add3A_116 : i32
      %add3A_118 = arith.addi %mul3A_4, %add3A_117 : i32
      %add3A_119 = vector.broadcast %add3A_118 : i32 to vector<16xi32>
      %add3A_120 = arith.addi %add3A_119, %iota3A : vector<16xi32>
      %lt3A_121 = arith.cmpi slt, %add3A_120, %get3A_38 : vector<16xi32>
      %get3A_122 = arith.index_cast %add3A_117 : i32 to index
      %get3A_123 = tpu.vector_load %arg5[%get3A_122] {strides = array<i32>} : memref<2048xf32, #tpu.memory_space<vmem>>, vector<16xf32>,
      %get3A_124 = vector.shape_cast %get3A_123 : vector<16xf32> to vector<16xf32>
      %eq3A_125 = vector.broadcast %while3A : f32 to vector<16xf32>
      %eq3A_126 = arith.cmpf oeq, %get3A_124, %eq3A_125 : vector<16xf32>
      %and3A_127 = arith.andi %lt3A_121, %eq3A_126 : vector<16xi1>
      %get3A_128 = arith.index_cast %add3A_117 : i32 to index
      %get3A_129 = tpu.vector_load %arg7[%get3A_128] {strides = array<i32>} : memref<2048xf32, #tpu.memory_space<vmem>>, vector<16xf32>,
      %get3A_130 = vector.shape_cast %get3A_129 : vector<16xf32> to vector<16xf32>
      %broadcast_in_dim3A_131 = vector.broadcast %while3A : f32 to vector<16xf32>
      %select_n3A_132 = arith.select %and3A_127, %get3A_130, %broadcast_in_dim3A_131 : vector<16xi1>, vector<16xf32>
      %get3A_133 = arith.index_cast %add3A_117 : i32 to index
      %get3A_134 = tpu.vector_load %arg6[%get3A_133] {strides = array<i32>} : memref<2048xf32, #tpu.memory_space<vmem>>, vector<16xf32>,
      %get3A_135 = vector.shape_cast %get3A_134 : vector<16xf32> to vector<16xf32>
      %eq3A_136 = vector.broadcast %while3A : f32 to vector<16xf32>
      %eq3A_137 = arith.cmpf oeq, %get3A_135, %eq3A_136 : vector<16xf32>
      %and3A_138 = arith.andi %lt3A_121, %eq3A_137 : vector<16xi1>
      %get3A_139 = arith.index_cast %add3A_117 : i32 to index
      %get3A_140 = tpu.vector_load %arg8[%get3A_139] {strides = array<i32>} : memref<2048xf32, #tpu.memory_space<vmem>>, vector<16xf32>,
      %get3A_141 = vector.shape_cast %get3A_140 : vector<16xf32> to vector<16xf32>
      %broadcast_in_dim3A_142 = vector.broadcast %while3A : f32 to vector<16xf32>
      %select_n3A_143 = arith.select %and3A_138, %get3A_141, %broadcast_in_dim3A_142 : vector<16xi1>, vector<16xf32>
      %mul3A_144 = arith.mulf %select_n3A_132, %select_n3A_143 : vector<16xf32>
      %add3A_145 = arith.constant 48 : i32
      %add3A_146 = arith.addi %mul3A_60, %add3A_145 : i32
      %add3A_147 = arith.addi %mul3A_4, %add3A_146 : i32
      %add3A_148 = vector.broadcast %add3A_147 : i32 to vector<16xi32>
      %add3A_149 = arith.addi %add3A_148, %iota3A : vector<16xi32>
      %lt3A_150 = arith.cmpi slt, %add3A_149, %get3A_38 : vector<16xi32>
      %get3A_151 = arith.index_cast %add3A_146 : i32 to index
      %get3A_152 = tpu.vector_load %arg5[%get3A_151] {strides = array<i32>} : memref<2048xf32, #tpu.memory_space<vmem>>, vector<16xf32>,
      %get3A_153 = vector.shape_cast %get3A_152 : vector<16xf32> to vector<16xf32>
      %eq3A_154 = vector.broadcast %while3A : f32 to vector<16xf32>
      %eq3A_155 = arith.cmpf oeq, %get3A_153, %eq3A_154 : vector<16xf32>
      %and3A_156 = arith.andi %lt3A_150, %eq3A_155 : vector<16xi1>
      %get3A_157 = arith.index_cast %add3A_146 : i32 to index
      %get3A_158 = tpu.vector_load %arg7[%get3A_157] {strides = array<i32>} : memref<2048xf32, #tpu.memory_space<vmem>>, vector<16xf32>,
      %get3A_159 = vector.shape_cast %get3A_158 : vector<16xf32> to vector<16xf32>
      %broadcast_in_dim3A_160 = vector.broadcast %while3A : f32 to vector<16xf32>
      %select_n3A_161 = arith.select %and3A_156, %get3A_159, %broadcast_in_dim3A_160 : vector<16xi1>, vector<16xf32>
      %get3A_162 = arith.index_cast %add3A_146 : i32 to index
      %get3A_163 = tpu.vector_load %arg6[%get3A_162] {strides = array<i32>} : memref<2048xf32, #tpu.memory_space<vmem>>, vector<16xf32>,
      %get3A_164 = vector.shape_cast %get3A_163 : vector<16xf32> to vector<16xf32>
      %eq3A_165 = vector.broadcast %while3A : f32 to vector<16xf32>
      %eq3A_166 = arith.cmpf oeq, %get3A_164, %eq3A_165 : vector<16xf32>
      %and3A_167 = arith.andi %lt3A_150, %eq3A_166 : vector<16xi1>
      %get3A_168 = arith.index_cast %add3A_146 : i32 to index
      %get3A_169 = tpu.vector_load %arg8[%get3A_168] {strides = array<i32>} : memref<2048xf32, #tpu.memory_space<vmem>>, vector<16xf32>,
      %get3A_170 = vector.shape_cast %get3A_169 : vector<16xf32> to vector<16xf32>
      %broadcast_in_dim3A_171 = vector.broadcast %while3A : f32 to vector<16xf32>
      %select_n3A_172 = arith.select %and3A_167, %get3A_170, %broadcast_in_dim3A_171 : vector<16xi1>, vector<16xf32>
      %mul3A_173 = arith.mulf %select_n3A_161, %select_n3A_172 : vector<16xf32>
      %mul3A_174 = arith.mulf %mul3A_86, %mul3A_115 : vector<16xf32>
      %bitcast_convert_type3A = tpu.bitcast %mul3A_174 : vector<16xf32> -> vector<16xi32>
      %shift_right_arithmetic3A_175 = arith.constant 23 : i32
      %shift_right_arithmetic3A_176 = vector.broadcast %shift_right_arithmetic3A_175 : i32 to vector<16xi32>
      %shift_right_arithmetic3A_177 = arith.shrsi %bitcast_convert_type3A, %shift_right_arithmetic3A_176 : vector<16xi32>
      %sub3A = arith.constant 126 : i32
      %sub3A_178 = vector.broadcast %sub3A : i32 to vector<16xi32>
      %sub3A_179 = arith.subi %shift_right_arithmetic3A_177, %sub3A_178 : vector<16xi32>
      %and3A_180 = arith.constant 8388607 : i32
      %and3A_181 = vector.broadcast %and3A_180 : i32 to vector<16xi32>
      %and3A_182 = arith.andi %bitcast_convert_type3A, %and3A_181 : vector<16xi32>
      %or3A = arith.constant 1056964608 : i32
      %or3A_183 = vector.broadcast %or3A : i32 to vector<16xi32>
      %or3A_184 = arith.ori %and3A_182, %or3A_183 : vector<16xi32>
      %bitcast_convert_type3A_185 = tpu.bitcast %or3A_184 : vector<16xi32> -> vector<16xf32>
      %lt3A_186 = arith.constant 0.707106769 : f32
      %lt3A_187 = vector.broadcast %lt3A_186 : f32 to vector<16xf32>
      %lt3A_188 = arith.cmpf olt, %bitcast_convert_type3A_185, %lt3A_187 : vector<16xf32>
      %jit3A = arith.constant 1 : i32
      %jit3A_189 = arith.constant 0 : i32
      %broadcast_in_dim3A_190 = vector.broadcast %jit3A : i32 to vector<16xi32>
      %broadcast_in_dim3A_191 = vector.broadcast %jit3A_189 : i32 to vector<16xi32>
      %select_n3A_192 = arith.select %lt3A_188, %broadcast_in_dim3A_190, %broadcast_in_dim3A_191 : vector<16xi1>, vector<16xi32>
      %sub3A_193 = arith.subi %sub3A_179, %select_n3A_192 : vector<16xi32>
      %convert_element_type3A = arith.sitofp %sub3A_193 : vector<16xi32> to vector<16xf32>
      %add3A_194 = arith.addf %bitcast_convert_type3A_185, %bitcast_convert_type3A_185 : vector<16xf32>
      %select_n3A_195 = arith.select %lt3A_188, %add3A_194, %bitcast_convert_type3A_185 : vector<16xi1>, vector<16xf32>
      %sub3A_196 = arith.constant 1.000000e+00 : f32
      %sub3A_197 = vector.broadcast %sub3A_196 : f32 to vector<16xf32>
      %sub3A_198 = arith.subf %select_n3A_195, %sub3A_197 : vector<16xf32>
      %mul3A_199 = arith.mulf %sub3A_198, %sub3A_198 : vector<16xf32>
      %mul3A_200 = arith.constant 0.0703768358 : f32
      %mul3A_201 = vector.broadcast %mul3A_200 : f32 to vector<16xf32>
      %mul3A_202 = arith.mulf %mul3A_201, %sub3A_198 : vector<16xf32>
      %add3A_203 = arith.constant -0.115146101 : f32
      %add3A_204 = vector.broadcast %add3A_203 : f32 to vector<16xf32>
      %add3A_205 = arith.addf %mul3A_202, %add3A_204 : vector<16xf32>
      %mul3A_206 = arith.mulf %add3A_205, %sub3A_198 : vector<16xf32>
      %add3A_207 = arith.constant 0.116769984 : f32
      %add3A_208 = vector.broadcast %add3A_207 : f32 to vector<16xf32>
      %add3A_209 = arith.addf %mul3A_206, %add3A_208 : vector<16xf32>
      %mul3A_210 = arith.mulf %add3A_209, %sub3A_198 : vector<16xf32>
      %add3A_211 = arith.constant -0.12420141 : f32
      %add3A_212 = vector.broadcast %add3A_211 : f32 to vector<16xf32>
      %add3A_213 = arith.addf %mul3A_210, %add3A_212 : vector<16xf32>
      %mul3A_214 = arith.mulf %add3A_213, %sub3A_198 : vector<16xf32>
      %add3A_215 = arith.constant 0.142493233 : f32
      %add3A_216 = vector.broadcast %add3A_215 : f32 to vector<16xf32>
      %add3A_217 = arith.addf %mul3A_214, %add3A_216 : vector<16xf32>
      %mul3A_218 = arith.mulf %add3A_217, %sub3A_198 : vector<16xf32>
      %add3A_219 = arith.constant -0.166680574 : f32
      %add3A_220 = vector.broadcast %add3A_219 : f32 to vector<16xf32>
      %add3A_221 = arith.addf %mul3A_218, %add3A_220 : vector<16xf32>
      %mul3A_222 = arith.mulf %add3A_221, %sub3A_198 : vector<16xf32>
      %add3A_223 = arith.constant 0.200007141 : f32
      %add3A_224 = vector.broadcast %add3A_223 : f32 to vector<16xf32>
      %add3A_225 = arith.addf %mul3A_222, %add3A_224 : vector<16xf32>
      %mul3A_226 = arith.mulf %add3A_225, %sub3A_198 : vector<16xf32>
      %add3A_227 = arith.constant -0.24999994 : f32
      %add3A_228 = vector.broadcast %add3A_227 : f32 to vector<16xf32>
      %add3A_229 = arith.addf %mul3A_226, %add3A_228 : vector<16xf32>
      %mul3A_230 = arith.mulf %add3A_229, %sub3A_198 : vector<16xf32>
      %add3A_231 = arith.constant 0.333333313 : f32
      %add3A_232 = vector.broadcast %add3A_231 : f32 to vector<16xf32>
      %add3A_233 = arith.addf %mul3A_230, %add3A_232 : vector<16xf32>
      %mul3A_234 = arith.mulf %add3A_233, %sub3A_198 : vector<16xf32>
      %mul3A_235 = arith.mulf %mul3A_234, %mul3A_199 : vector<16xf32>
      %mul3A_236 = arith.constant -2.12194442E-4 : f32
      %mul3A_237 = vector.broadcast %mul3A_236 : f32 to vector<16xf32>
      %mul3A_238 = arith.mulf %convert_element_type3A, %mul3A_237 : vector<16xf32>
      %add3A_239 = arith.addf %mul3A_235, %mul3A_238 : vector<16xf32>
      %mul3A_240 = arith.constant 5.000000e-01 : f32
      %mul3A_241 = vector.broadcast %mul3A_240 : f32 to vector<16xf32>
      %mul3A_242 = arith.mulf %mul3A_241, %mul3A_199 : vector<16xf32>
      %sub3A_243 = arith.subf %add3A_239, %mul3A_242 : vector<16xf32>
      %add3A_244 = arith.addf %sub3A_198, %sub3A_243 : vector<16xf32>
      %mul3A_245 = arith.constant 0.693359375 : f32
      %mul3A_246 = vector.broadcast %mul3A_245 : f32 to vector<16xf32>
      %mul3A_247 = arith.mulf %convert_element_type3A, %mul3A_246 : vector<16xf32>
      %add3A_248 = arith.addf %add3A_244, %mul3A_247 : vector<16xf32>
      %add3A_249 = arith.addf %while3A_58, %add3A_248 : vector<16xf32>
      %mul3A_250 = arith.mulf %mul3A_144, %mul3A_173 : vector<16xf32>
      %bitcast_convert_type3A_251 = tpu.bitcast %mul3A_250 : vector<16xf32> -> vector<16xi32>
      %shift_right_arithmetic3A_252 = arith.constant 23 : i32
      %shift_right_arithmetic3A_253 = vector.broadcast %shift_right_arithmetic3A_252 : i32 to vector<16xi32>
      %shift_right_arithmetic3A_254 = arith.shrsi %bitcast_convert_type3A_251, %shift_right_arithmetic3A_253 : vector<16xi32>
      %sub3A_255 = arith.constant 126 : i32
      %sub3A_256 = vector.broadcast %sub3A_255 : i32 to vector<16xi32>
      %sub3A_257 = arith.subi %shift_right_arithmetic3A_254, %sub3A_256 : vector<16xi32>
      %and3A_258 = arith.constant 8388607 : i32
      %and3A_259 = vector.broadcast %and3A_258 : i32 to vector<16xi32>
      %and3A_260 = arith.andi %bitcast_convert_type3A_251, %and3A_259 : vector<16xi32>
      %or3A_261 = arith.constant 1056964608 : i32
      %or3A_262 = vector.broadcast %or3A_261 : i32 to vector<16xi32>
      %or3A_263 = arith.ori %and3A_260, %or3A_262 : vector<16xi32>
      %bitcast_convert_type3A_264 = tpu.bitcast %or3A_263 : vector<16xi32> -> vector<16xf32>
      %lt3A_265 = arith.constant 0.707106769 : f32
      %lt3A_266 = vector.broadcast %lt3A_265 : f32 to vector<16xf32>
      %lt3A_267 = arith.cmpf olt, %bitcast_convert_type3A_264, %lt3A_266 : vector<16xf32>
      %jit3A_268 = arith.constant 1 : i32
      %jit3A_269 = arith.constant 0 : i32
      %broadcast_in_dim3A_270 = vector.broadcast %jit3A_268 : i32 to vector<16xi32>
      %broadcast_in_dim3A_271 = vector.broadcast %jit3A_269 : i32 to vector<16xi32>
      %select_n3A_272 = arith.select %lt3A_267, %broadcast_in_dim3A_270, %broadcast_in_dim3A_271 : vector<16xi1>, vector<16xi32>
      %sub3A_273 = arith.subi %sub3A_257, %select_n3A_272 : vector<16xi32>
      %convert_element_type3A_274 = arith.sitofp %sub3A_273 : vector<16xi32> to vector<16xf32>
      %add3A_275 = arith.addf %bitcast_convert_type3A_264, %bitcast_convert_type3A_264 : vector<16xf32>
      %select_n3A_276 = arith.select %lt3A_267, %add3A_275, %bitcast_convert_type3A_264 : vector<16xi1>, vector<16xf32>
      %sub3A_277 = arith.constant 1.000000e+00 : f32
      %sub3A_278 = vector.broadcast %sub3A_277 : f32 to vector<16xf32>
      %sub3A_279 = arith.subf %select_n3A_276, %sub3A_278 : vector<16xf32>
      %mul3A_280 = arith.mulf %sub3A_279, %sub3A_279 : vector<16xf32>
      %mul3A_281 = arith.constant 0.0703768358 : f32
      %mul3A_282 = vector.broadcast %mul3A_281 : f32 to vector<16xf32>
      %mul3A_283 = arith.mulf %mul3A_282, %sub3A_279 : vector<16xf32>
      %add3A_284 = arith.constant -0.115146101 : f32
      %add3A_285 = vector.broadcast %add3A_284 : f32 to vector<16xf32>
      %add3A_286 = arith.addf %mul3A_283, %add3A_285 : vector<16xf32>
      %mul3A_287 = arith.mulf %add3A_286, %sub3A_279 : vector<16xf32>
      %add3A_288 = arith.constant 0.116769984 : f32
      %add3A_289 = vector.broadcast %add3A_288 : f32 to vector<16xf32>
      %add3A_290 = arith.addf %mul3A_287, %add3A_289 : vector<16xf32>
      %mul3A_291 = arith.mulf %add3A_290, %sub3A_279 : vector<16xf32>
      %add3A_292 = arith.constant -0.12420141 : f32
      %add3A_293 = vector.broadcast %add3A_292 : f32 to vector<16xf32>
      %add3A_294 = arith.addf %mul3A_291, %add3A_293 : vector<16xf32>
      %mul3A_295 = arith.mulf %add3A_294, %sub3A_279 : vector<16xf32>
      %add3A_296 = arith.constant 0.142493233 : f32
      %add3A_297 = vector.broadcast %add3A_296 : f32 to vector<16xf32>
      %add3A_298 = arith.addf %mul3A_295, %add3A_297 : vector<16xf32>
      %mul3A_299 = arith.mulf %add3A_298, %sub3A_279 : vector<16xf32>
      %add3A_300 = arith.constant -0.166680574 : f32
      %add3A_301 = vector.broadcast %add3A_300 : f32 to vector<16xf32>
      %add3A_302 = arith.addf %mul3A_299, %add3A_301 : vector<16xf32>
      %mul3A_303 = arith.mulf %add3A_302, %sub3A_279 : vector<16xf32>
      %add3A_304 = arith.constant 0.200007141 : f32
      %add3A_305 = vector.broadcast %add3A_304 : f32 to vector<16xf32>
      %add3A_306 = arith.addf %mul3A_303, %add3A_305 : vector<16xf32>
      %mul3A_307 = arith.mulf %add3A_306, %sub3A_279 : vector<16xf32>
      %add3A_308 = arith.constant -0.24999994 : f32
      %add3A_309 = vector.broadcast %add3A_308 : f32 to vector<16xf32>
      %add3A_310 = arith.addf %mul3A_307, %add3A_309 : vector<16xf32>
      %mul3A_311 = arith.mulf %add3A_310, %sub3A_279 : vector<16xf32>
      %add3A_312 = arith.constant 0.333333313 : f32
      %add3A_313 = vector.broadcast %add3A_312 : f32 to vector<16xf32>
      %add3A_314 = arith.addf %mul3A_311, %add3A_313 : vector<16xf32>
      %mul3A_315 = arith.mulf %add3A_314, %sub3A_279 : vector<16xf32>
      %mul3A_316 = arith.mulf %mul3A_315, %mul3A_280 : vector<16xf32>
      %mul3A_317 = arith.constant -2.12194442E-4 : f32
      %mul3A_318 = vector.broadcast %mul3A_317 : f32 to vector<16xf32>
      %mul3A_319 = arith.mulf %convert_element_type3A_274, %mul3A_318 : vector<16xf32>
      %add3A_320 = arith.addf %mul3A_316, %mul3A_319 : vector<16xf32>
      %mul3A_321 = arith.constant 5.000000e-01 : f32
      %mul3A_322 = vector.broadcast %mul3A_321 : f32 to vector<16xf32>
      %mul3A_323 = arith.mulf %mul3A_322, %mul3A_280 : vector<16xf32>
      %sub3A_324 = arith.subf %add3A_320, %mul3A_323 : vector<16xf32>
      %add3A_325 = arith.addf %sub3A_279, %sub3A_324 : vector<16xf32>
      %mul3A_326 = arith.constant 0.693359375 : f32
      %mul3A_327 = vector.broadcast %mul3A_326 : f32 to vector<16xf32>
      %mul3A_328 = arith.mulf %convert_element_type3A_274, %mul3A_327 : vector<16xf32>
      %add3A_329 = arith.addf %add3A_325, %mul3A_328 : vector<16xf32>
      %add3A_330 = arith.addf %add3A_249, %add3A_329 : vector<16xf32>
      scf.yield %add3A_330 : vector<16xf32>
    }
    %while3A_51 = arith.constant 1 : i32
    %while3A_52 = scf.for %while3A_57 = %while3A_48 to %while3A_44 step %while3A_51 iter_args(%while3A_58 = %while3A_50) -> (vector<16xf32>)  : i32 {
      %mul3A_59 = arith.constant 64 : i32
      %mul3A_60 = arith.muli %while3A_57, %mul3A_59 : i32
      %add3A_61 = arith.constant 0 : i32
      %add3A_62 = arith.addi %mul3A_60, %add3A_61 : i32
      %add3A_63 = arith.addi %mul3A_4, %add3A_62 : i32
      %add3A_64 = vector.broadcast %add3A_63 : i32 to vector<16xi32>
      %add3A_65 = arith.addi %add3A_64, %iota3A : vector<16xi32>
      %lt3A = arith.cmpi slt, %add3A_65, %get3A_38 : vector<16xi32>
      %get3A_66 = arith.index_cast %add3A_62 : i32 to index
      %get3A_67 = tpu.vector_load %arg5[%get3A_66] {strides = array<i32>} : memref<2048xf32, #tpu.memory_space<vmem>>, vector<16xf32>,
      %get3A_68 = vector.shape_cast %get3A_67 : vector<16xf32> to vector<16xf32>
      %eq3A = vector.broadcast %while3A : f32 to vector<16xf32>
      %eq3A_69 = arith.cmpf oeq, %get3A_68, %eq3A : vector<16xf32>
      %and3A_70 = arith.andi %lt3A, %eq3A_69 : vector<16xi1>
      %get3A_71 = arith.index_cast %add3A_62 : i32 to index
      %get3A_72 = tpu.vector_load %arg7[%get3A_71] {strides = array<i32>} : memref<2048xf32, #tpu.memory_space<vmem>>, vector<16xf32>,
      %get3A_73 = vector.shape_cast %get3A_72 : vector<16xf32> to vector<16xf32>
      %broadcast_in_dim3A_74 = vector.broadcast %while3A : f32 to vector<16xf32>
      %select_n3A = arith.select %and3A_70, %get3A_73, %broadcast_in_dim3A_74 : vector<16xi1>, vector<16xf32>
      %get3A_75 = arith.index_cast %add3A_62 : i32 to index
      %get3A_76 = tpu.vector_load %arg6[%get3A_75] {strides = array<i32>} : memref<2048xf32, #tpu.memory_space<vmem>>, vector<16xf32>,
      %get3A_77 = vector.shape_cast %get3A_76 : vector<16xf32> to vector<16xf32>
      %eq3A_78 = vector.broadcast %while3A : f32 to vector<16xf32>
      %eq3A_79 = arith.cmpf oeq, %get3A_77, %eq3A_78 : vector<16xf32>
      %and3A_80 = arith.andi %lt3A, %eq3A_79 : vector<16xi1>
      %get3A_81 = arith.index_cast %add3A_62 : i32 to index
      %get3A_82 = tpu.vector_load %arg8[%get3A_81] {strides = array<i32>} : memref<2048xf32, #tpu.memory_space<vmem>>, vector<16xf32>,
      %get3A_83 = vector.shape_cast %get3A_82 : vector<16xf32> to vector<16xf32>
      %broadcast_in_dim3A_84 = vector.broadcast %while3A : f32 to vector<16xf32>
      %select_n3A_85 = arith.select %and3A_80, %get3A_83, %broadcast_in_dim3A_84 : vector<16xi1>, vector<16xf32>
      %mul3A_86 = arith.mulf %select_n3A, %select_n3A_85 : vector<16xf32>
      %add3A_87 = arith.constant 16 : i32
      %add3A_88 = arith.addi %mul3A_60, %add3A_87 : i32
      %add3A_89 = arith.addi %mul3A_4, %add3A_88 : i32
      %add3A_90 = vector.broadcast %add3A_89 : i32 to vector<16xi32>
      %add3A_91 = arith.addi %add3A_90, %iota3A : vector<16xi32>
      %lt3A_92 = arith.cmpi slt, %add3A_91, %get3A_38 : vector<16xi32>
      %get3A_93 = arith.index_cast %add3A_88 : i32 to index
      %get3A_94 = tpu.vector_load %arg5[%get3A_93] {strides = array<i32>} : memref<2048xf32, #tpu.memory_space<vmem>>, vector<16xf32>,
      %get3A_95 = vector.shape_cast %get3A_94 : vector<16xf32> to vector<16xf32>
      %eq3A_96 = vector.broadcast %while3A : f32 to vector<16xf32>
      %eq3A_97 = arith.cmpf oeq, %get3A_95, %eq3A_96 : vector<16xf32>
      %and3A_98 = arith.andi %lt3A_92, %eq3A_97 : vector<16xi1>
      %get3A_99 = arith.index_cast %add3A_88 : i32 to index
      %get3A_100 = tpu.vector_load %arg7[%get3A_99] {strides = array<i32>} : memref<2048xf32, #tpu.memory_space<vmem>>, vector<16xf32>,
      %get3A_101 = vector.shape_cast %get3A_100 : vector<16xf32> to vector<16xf32>
      %broadcast_in_dim3A_102 = vector.broadcast %while3A : f32 to vector<16xf32>
      %select_n3A_103 = arith.select %and3A_98, %get3A_101, %broadcast_in_dim3A_102 : vector<16xi1>, vector<16xf32>
      %get3A_104 = arith.index_cast %add3A_88 : i32 to index
      %get3A_105 = tpu.vector_load %arg6[%get3A_104] {strides = array<i32>} : memref<2048xf32, #tpu.memory_space<vmem>>, vector<16xf32>,
      %get3A_106 = vector.shape_cast %get3A_105 : vector<16xf32> to vector<16xf32>
      %eq3A_107 = vector.broadcast %while3A : f32 to vector<16xf32>
      %eq3A_108 = arith.cmpf oeq, %get3A_106, %eq3A_107 : vector<16xf32>
      %and3A_109 = arith.andi %lt3A_92, %eq3A_108 : vector<16xi1>
      %get3A_110 = arith.index_cast %add3A_88 : i32 to index
      %get3A_111 = tpu.vector_load %arg8[%get3A_110] {strides = array<i32>} : memref<2048xf32, #tpu.memory_space<vmem>>, vector<16xf32>,
      %get3A_112 = vector.shape_cast %get3A_111 : vector<16xf32> to vector<16xf32>
      %broadcast_in_dim3A_113 = vector.broadcast %while3A : f32 to vector<16xf32>
      %select_n3A_114 = arith.select %and3A_109, %get3A_112, %broadcast_in_dim3A_113 : vector<16xi1>, vector<16xf32>
      %mul3A_115 = arith.mulf %select_n3A_103, %select_n3A_114 : vector<16xf32>
      %add3A_116 = arith.constant 32 : i32
      %add3A_117 = arith.addi %mul3A_60, %add3A_116 : i32
      %add3A_118 = arith.addi %mul3A_4, %add3A_117 : i32
      %add3A_119 = vector.broadcast %add3A_118 : i32 to vector<16xi32>
      %add3A_120 = arith.addi %add3A_119, %iota3A : vector<16xi32>
      %lt3A_121 = arith.cmpi slt, %add3A_120, %get3A_38 : vector<16xi32>
      %get3A_122 = arith.index_cast %add3A_117 : i32 to index
      %get3A_123 = tpu.vector_load %arg5[%get3A_122] {strides = array<i32>} : memref<2048xf32, #tpu.memory_space<vmem>>, vector<16xf32>,
      %get3A_124 = vector.shape_cast %get3A_123 : vector<16xf32> to vector<16xf32>
      %eq3A_125 = vector.broadcast %while3A : f32 to vector<16xf32>
      %eq3A_126 = arith.cmpf oeq, %get3A_124, %eq3A_125 : vector<16xf32>
      %and3A_127 = arith.andi %lt3A_121, %eq3A_126 : vector<16xi1>
      %get3A_128 = arith.index_cast %add3A_117 : i32 to index
      %get3A_129 = tpu.vector_load %arg7[%get3A_128] {strides = array<i32>} : memref<2048xf32, #tpu.memory_space<vmem>>, vector<16xf32>,
      %get3A_130 = vector.shape_cast %get3A_129 : vector<16xf32> to vector<16xf32>
      %broadcast_in_dim3A_131 = vector.broadcast %while3A : f32 to vector<16xf32>
      %select_n3A_132 = arith.select %and3A_127, %get3A_130, %broadcast_in_dim3A_131 : vector<16xi1>, vector<16xf32>
      %get3A_133 = arith.index_cast %add3A_117 : i32 to index
      %get3A_134 = tpu.vector_load %arg6[%get3A_133] {strides = array<i32>} : memref<2048xf32, #tpu.memory_space<vmem>>, vector<16xf32>,
      %get3A_135 = vector.shape_cast %get3A_134 : vector<16xf32> to vector<16xf32>
      %eq3A_136 = vector.broadcast %while3A : f32 to vector<16xf32>
      %eq3A_137 = arith.cmpf oeq, %get3A_135, %eq3A_136 : vector<16xf32>
      %and3A_138 = arith.andi %lt3A_121, %eq3A_137 : vector<16xi1>
      %get3A_139 = arith.index_cast %add3A_117 : i32 to index
      %get3A_140 = tpu.vector_load %arg8[%get3A_139] {strides = array<i32>} : memref<2048xf32, #tpu.memory_space<vmem>>, vector<16xf32>,
      %get3A_141 = vector.shape_cast %get3A_140 : vector<16xf32> to vector<16xf32>
      %broadcast_in_dim3A_142 = vector.broadcast %while3A : f32 to vector<16xf32>
      %select_n3A_143 = arith.select %and3A_138, %get3A_141, %broadcast_in_dim3A_142 : vector<16xi1>, vector<16xf32>
      %mul3A_144 = arith.mulf %select_n3A_132, %select_n3A_143 : vector<16xf32>
      %add3A_145 = arith.constant 48 : i32
      %add3A_146 = arith.addi %mul3A_60, %add3A_145 : i32
      %add3A_147 = arith.addi %mul3A_4, %add3A_146 : i32
      %add3A_148 = vector.broadcast %add3A_147 : i32 to vector<16xi32>
      %add3A_149 = arith.addi %add3A_148, %iota3A : vector<16xi32>
      %lt3A_150 = arith.cmpi slt, %add3A_149, %get3A_38 : vector<16xi32>
      %get3A_151 = arith.index_cast %add3A_146 : i32 to index
      %get3A_152 = tpu.vector_load %arg5[%get3A_151] {strides = array<i32>} : memref<2048xf32, #tpu.memory_space<vmem>>, vector<16xf32>,
      %get3A_153 = vector.shape_cast %get3A_152 : vector<16xf32> to vector<16xf32>
      %eq3A_154 = vector.broadcast %while3A : f32 to vector<16xf32>
      %eq3A_155 = arith.cmpf oeq, %get3A_153, %eq3A_154 : vector<16xf32>
      %and3A_156 = arith.andi %lt3A_150, %eq3A_155 : vector<16xi1>
      %get3A_157 = arith.index_cast %add3A_146 : i32 to index
      %get3A_158 = tpu.vector_load %arg7[%get3A_157] {strides = array<i32>} : memref<2048xf32, #tpu.memory_space<vmem>>, vector<16xf32>,
      %get3A_159 = vector.shape_cast %get3A_158 : vector<16xf32> to vector<16xf32>
      %broadcast_in_dim3A_160 = vector.broadcast %while3A : f32 to vector<16xf32>
      %select_n3A_161 = arith.select %and3A_156, %get3A_159, %broadcast_in_dim3A_160 : vector<16xi1>, vector<16xf32>
      %get3A_162 = arith.index_cast %add3A_146 : i32 to index
      %get3A_163 = tpu.vector_load %arg6[%get3A_162] {strides = array<i32>} : memref<2048xf32, #tpu.memory_space<vmem>>, vector<16xf32>,
      %get3A_164 = vector.shape_cast %get3A_163 : vector<16xf32> to vector<16xf32>
      %eq3A_165 = vector.broadcast %while3A : f32 to vector<16xf32>
      %eq3A_166 = arith.cmpf oeq, %get3A_164, %eq3A_165 : vector<16xf32>
      %and3A_167 = arith.andi %lt3A_150, %eq3A_166 : vector<16xi1>
      %get3A_168 = arith.index_cast %add3A_146 : i32 to index
      %get3A_169 = tpu.vector_load %arg8[%get3A_168] {strides = array<i32>} : memref<2048xf32, #tpu.memory_space<vmem>>, vector<16xf32>,
      %get3A_170 = vector.shape_cast %get3A_169 : vector<16xf32> to vector<16xf32>
      %broadcast_in_dim3A_171 = vector.broadcast %while3A : f32 to vector<16xf32>
      %select_n3A_172 = arith.select %and3A_167, %get3A_170, %broadcast_in_dim3A_171 : vector<16xi1>, vector<16xf32>
      %mul3A_173 = arith.mulf %select_n3A_161, %select_n3A_172 : vector<16xf32>
      %mul3A_174 = arith.mulf %mul3A_86, %mul3A_115 : vector<16xf32>
      %bitcast_convert_type3A = tpu.bitcast %mul3A_174 : vector<16xf32> -> vector<16xi32>
      %shift_right_arithmetic3A_175 = arith.constant 23 : i32
      %shift_right_arithmetic3A_176 = vector.broadcast %shift_right_arithmetic3A_175 : i32 to vector<16xi32>
      %shift_right_arithmetic3A_177 = arith.shrsi %bitcast_convert_type3A, %shift_right_arithmetic3A_176 : vector<16xi32>
      %sub3A = arith.constant 126 : i32
      %sub3A_178 = vector.broadcast %sub3A : i32 to vector<16xi32>
      %sub3A_179 = arith.subi %shift_right_arithmetic3A_177, %sub3A_178 : vector<16xi32>
      %and3A_180 = arith.constant 8388607 : i32
      %and3A_181 = vector.broadcast %and3A_180 : i32 to vector<16xi32>
      %and3A_182 = arith.andi %bitcast_convert_type3A, %and3A_181 : vector<16xi32>
      %or3A = arith.constant 1056964608 : i32
      %or3A_183 = vector.broadcast %or3A : i32 to vector<16xi32>
      %or3A_184 = arith.ori %and3A_182, %or3A_183 : vector<16xi32>
      %bitcast_convert_type3A_185 = tpu.bitcast %or3A_184 : vector<16xi32> -> vector<16xf32>
      %lt3A_186 = arith.constant 0.707106769 : f32
      %lt3A_187 = vector.broadcast %lt3A_186 : f32 to vector<16xf32>
      %lt3A_188 = arith.cmpf olt, %bitcast_convert_type3A_185, %lt3A_187 : vector<16xf32>
      %jit3A = arith.constant 1 : i32
      %jit3A_189 = arith.constant 0 : i32
      %broadcast_in_dim3A_190 = vector.broadcast %jit3A : i32 to vector<16xi32>
      %broadcast_in_dim3A_191 = vector.broadcast %jit3A_189 : i32 to vector<16xi32>
      %select_n3A_192 = arith.select %lt3A_188, %broadcast_in_dim3A_190, %broadcast_in_dim3A_191 : vector<16xi1>, vector<16xi32>
      %sub3A_193 = arith.subi %sub3A_179, %select_n3A_192 : vector<16xi32>
      %convert_element_type3A = arith.sitofp %sub3A_193 : vector<16xi32> to vector<16xf32>
      %add3A_194 = arith.addf %bitcast_convert_type3A_185, %bitcast_convert_type3A_185 : vector<16xf32>
      %select_n3A_195 = arith.select %lt3A_188, %add3A_194, %bitcast_convert_type3A_185 : vector<16xi1>, vector<16xf32>
      %sub3A_196 = arith.constant 1.000000e+00 : f32
      %sub3A_197 = vector.broadcast %sub3A_196 : f32 to vector<16xf32>
      %sub3A_198 = arith.subf %select_n3A_195, %sub3A_197 : vector<16xf32>
      %mul3A_199 = arith.mulf %sub3A_198, %sub3A_198 : vector<16xf32>
      %mul3A_200 = arith.constant 0.0703768358 : f32
      %mul3A_201 = vector.broadcast %mul3A_200 : f32 to vector<16xf32>
      %mul3A_202 = arith.mulf %mul3A_201, %sub3A_198 : vector<16xf32>
      %add3A_203 = arith.constant -0.115146101 : f32
      %add3A_204 = vector.broadcast %add3A_203 : f32 to vector<16xf32>
      %add3A_205 = arith.addf %mul3A_202, %add3A_204 : vector<16xf32>
      %mul3A_206 = arith.mulf %add3A_205, %sub3A_198 : vector<16xf32>
      %add3A_207 = arith.constant 0.116769984 : f32
      %add3A_208 = vector.broadcast %add3A_207 : f32 to vector<16xf32>
      %add3A_209 = arith.addf %mul3A_206, %add3A_208 : vector<16xf32>
      %mul3A_210 = arith.mulf %add3A_209, %sub3A_198 : vector<16xf32>
      %add3A_211 = arith.constant -0.12420141 : f32
      %add3A_212 = vector.broadcast %add3A_211 : f32 to vector<16xf32>
      %add3A_213 = arith.addf %mul3A_210, %add3A_212 : vector<16xf32>
      %mul3A_214 = arith.mulf %add3A_213, %sub3A_198 : vector<16xf32>
      %add3A_215 = arith.constant 0.142493233 : f32
      %add3A_216 = vector.broadcast %add3A_215 : f32 to vector<16xf32>
      %add3A_217 = arith.addf %mul3A_214, %add3A_216 : vector<16xf32>
      %mul3A_218 = arith.mulf %add3A_217, %sub3A_198 : vector<16xf32>
      %add3A_219 = arith.constant -0.166680574 : f32
      %add3A_220 = vector.broadcast %add3A_219 : f32 to vector<16xf32>
      %add3A_221 = arith.addf %mul3A_218, %add3A_220 : vector<16xf32>
      %mul3A_222 = arith.mulf %add3A_221, %sub3A_198 : vector<16xf32>
      %add3A_223 = arith.constant 0.200007141 : f32
      %add3A_224 = vector.broadcast %add3A_223 : f32 to vector<16xf32>
      %add3A_225 = arith.addf %mul3A_222, %add3A_224 : vector<16xf32>
      %mul3A_226 = arith.mulf %add3A_225, %sub3A_198 : vector<16xf32>
      %add3A_227 = arith.constant -0.24999994 : f32
      %add3A_228 = vector.broadcast %add3A_227 : f32 to vector<16xf32>
      %add3A_229 = arith.addf %mul3A_226, %add3A_228 : vector<16xf32>
      %mul3A_230 = arith.mulf %add3A_229, %sub3A_198 : vector<16xf32>
      %add3A_231 = arith.constant 0.333333313 : f32
      %add3A_232 = vector.broadcast %add3A_231 : f32 to vector<16xf32>
      %add3A_233 = arith.addf %mul3A_230, %add3A_232 : vector<16xf32>
      %mul3A_234 = arith.mulf %add3A_233, %sub3A_198 : vector<16xf32>
      %mul3A_235 = arith.mulf %mul3A_234, %mul3A_199 : vector<16xf32>
      %mul3A_236 = arith.constant -2.12194442E-4 : f32
      %mul3A_237 = vector.broadcast %mul3A_236 : f32 to vector<16xf32>
      %mul3A_238 = arith.mulf %convert_element_type3A, %mul3A_237 : vector<16xf32>
      %add3A_239 = arith.addf %mul3A_235, %mul3A_238 : vector<16xf32>
      %mul3A_240 = arith.constant 5.000000e-01 : f32
      %mul3A_241 = vector.broadcast %mul3A_240 : f32 to vector<16xf32>
      %mul3A_242 = arith.mulf %mul3A_241, %mul3A_199 : vector<16xf32>
      %sub3A_243 = arith.subf %add3A_239, %mul3A_242 : vector<16xf32>
      %add3A_244 = arith.addf %sub3A_198, %sub3A_243 : vector<16xf32>
      %mul3A_245 = arith.constant 0.693359375 : f32
      %mul3A_246 = vector.broadcast %mul3A_245 : f32 to vector<16xf32>
      %mul3A_247 = arith.mulf %convert_element_type3A, %mul3A_246 : vector<16xf32>
      %add3A_248 = arith.addf %add3A_244, %mul3A_247 : vector<16xf32>
      %add3A_249 = arith.addf %while3A_58, %add3A_248 : vector<16xf32>
      %mul3A_250 = arith.mulf %mul3A_144, %mul3A_173 : vector<16xf32>
      %bitcast_convert_type3A_251 = tpu.bitcast %mul3A_250 : vector<16xf32> -> vector<16xi32>
      %shift_right_arithmetic3A_252 = arith.constant 23 : i32
      %shift_right_arithmetic3A_253 = vector.broadcast %shift_right_arithmetic3A_252 : i32 to vector<16xi32>
      %shift_right_arithmetic3A_254 = arith.shrsi %bitcast_convert_type3A_251, %shift_right_arithmetic3A_253 : vector<16xi32>
      %sub3A_255 = arith.constant 126 : i32
      %sub3A_256 = vector.broadcast %sub3A_255 : i32 to vector<16xi32>
      %sub3A_257 = arith.subi %shift_right_arithmetic3A_254, %sub3A_256 : vector<16xi32>
      %and3A_258 = arith.constant 8388607 : i32
      %and3A_259 = vector.broadcast %and3A_258 : i32 to vector<16xi32>
      %and3A_260 = arith.andi %bitcast_convert_type3A_251, %and3A_259 : vector<16xi32>
      %or3A_261 = arith.constant 1056964608 : i32
      %or3A_262 = vector.broadcast %or3A_261 : i32 to vector<16xi32>
      %or3A_263 = arith.ori %and3A_260, %or3A_262 : vector<16xi32>
      %bitcast_convert_type3A_264 = tpu.bitcast %or3A_263 : vector<16xi32> -> vector<16xf32>
      %lt3A_265 = arith.constant 0.707106769 : f32
      %lt3A_266 = vector.broadcast %lt3A_265 : f32 to vector<16xf32>
      %lt3A_267 = arith.cmpf olt, %bitcast_convert_type3A_264, %lt3A_266 : vector<16xf32>
      %jit3A_268 = arith.constant 1 : i32
      %jit3A_269 = arith.constant 0 : i32
      %broadcast_in_dim3A_270 = vector.broadcast %jit3A_268 : i32 to vector<16xi32>
      %broadcast_in_dim3A_271 = vector.broadcast %jit3A_269 : i32 to vector<16xi32>
      %select_n3A_272 = arith.select %lt3A_267, %broadcast_in_dim3A_270, %broadcast_in_dim3A_271 : vector<16xi1>, vector<16xi32>
      %sub3A_273 = arith.subi %sub3A_257, %select_n3A_272 : vector<16xi32>
      %convert_element_type3A_274 = arith.sitofp %sub3A_273 : vector<16xi32> to vector<16xf32>
      %add3A_275 = arith.addf %bitcast_convert_type3A_264, %bitcast_convert_type3A_264 : vector<16xf32>
      %select_n3A_276 = arith.select %lt3A_267, %add3A_275, %bitcast_convert_type3A_264 : vector<16xi1>, vector<16xf32>
      %sub3A_277 = arith.constant 1.000000e+00 : f32
      %sub3A_278 = vector.broadcast %sub3A_277 : f32 to vector<16xf32>
      %sub3A_279 = arith.subf %select_n3A_276, %sub3A_278 : vector<16xf32>
      %mul3A_280 = arith.mulf %sub3A_279, %sub3A_279 : vector<16xf32>
      %mul3A_281 = arith.constant 0.0703768358 : f32
      %mul3A_282 = vector.broadcast %mul3A_281 : f32 to vector<16xf32>
      %mul3A_283 = arith.mulf %mul3A_282, %sub3A_279 : vector<16xf32>
      %add3A_284 = arith.constant -0.115146101 : f32
      %add3A_285 = vector.broadcast %add3A_284 : f32 to vector<16xf32>
      %add3A_286 = arith.addf %mul3A_283, %add3A_285 : vector<16xf32>
      %mul3A_287 = arith.mulf %add3A_286, %sub3A_279 : vector<16xf32>
      %add3A_288 = arith.constant 0.116769984 : f32
      %add3A_289 = vector.broadcast %add3A_288 : f32 to vector<16xf32>
      %add3A_290 = arith.addf %mul3A_287, %add3A_289 : vector<16xf32>
      %mul3A_291 = arith.mulf %add3A_290, %sub3A_279 : vector<16xf32>
      %add3A_292 = arith.constant -0.12420141 : f32
      %add3A_293 = vector.broadcast %add3A_292 : f32 to vector<16xf32>
      %add3A_294 = arith.addf %mul3A_291, %add3A_293 : vector<16xf32>
      %mul3A_295 = arith.mulf %add3A_294, %sub3A_279 : vector<16xf32>
      %add3A_296 = arith.constant 0.142493233 : f32
      %add3A_297 = vector.broadcast %add3A_296 : f32 to vector<16xf32>
      %add3A_298 = arith.addf %mul3A_295, %add3A_297 : vector<16xf32>
      %mul3A_299 = arith.mulf %add3A_298, %sub3A_279 : vector<16xf32>
      %add3A_300 = arith.constant -0.166680574 : f32
      %add3A_301 = vector.broadcast %add3A_300 : f32 to vector<16xf32>
      %add3A_302 = arith.addf %mul3A_299, %add3A_301 : vector<16xf32>
      %mul3A_303 = arith.mulf %add3A_302, %sub3A_279 : vector<16xf32>
      %add3A_304 = arith.constant 0.200007141 : f32
      %add3A_305 = vector.broadcast %add3A_304 : f32 to vector<16xf32>
      %add3A_306 = arith.addf %mul3A_303, %add3A_305 : vector<16xf32>
      %mul3A_307 = arith.mulf %add3A_306, %sub3A_279 : vector<16xf32>
      %add3A_308 = arith.constant -0.24999994 : f32
      %add3A_309 = vector.broadcast %add3A_308 : f32 to vector<16xf32>
      %add3A_310 = arith.addf %mul3A_307, %add3A_309 : vector<16xf32>
      %mul3A_311 = arith.mulf %add3A_310, %sub3A_279 : vector<16xf32>
      %add3A_312 = arith.constant 0.333333313 : f32
      %add3A_313 = vector.broadcast %add3A_312 : f32 to vector<16xf32>
      %add3A_314 = arith.addf %mul3A_311, %add3A_313 : vector<16xf32>
      %mul3A_315 = arith.mulf %add3A_314, %sub3A_279 : vector<16xf32>
      %mul3A_316 = arith.mulf %mul3A_315, %mul3A_280 : vector<16xf32>
      %mul3A_317 = arith.constant -2.12194442E-4 : f32
      %mul3A_318 = vector.broadcast %mul3A_317 : f32 to vector<16xf32>
      %mul3A_319 = arith.mulf %convert_element_type3A_274, %mul3A_318 : vector<16xf32>
      %add3A_320 = arith.addf %mul3A_316, %mul3A_319 : vector<16xf32>
      %mul3A_321 = arith.constant 5.000000e-01 : f32
      %mul3A_322 = vector.broadcast %mul3A_321 : f32 to vector<16xf32>
      %mul3A_323 = arith.mulf %mul3A_322, %mul3A_280 : vector<16xf32>
      %sub3A_324 = arith.subf %add3A_320, %mul3A_323 : vector<16xf32>
      %add3A_325 = arith.addf %sub3A_279, %sub3A_324 : vector<16xf32>
      %mul3A_326 = arith.constant 0.693359375 : f32
      %mul3A_327 = vector.broadcast %mul3A_326 : f32 to vector<16xf32>
      %mul3A_328 = arith.mulf %convert_element_type3A_274, %mul3A_327 : vector<16xf32>
      %add3A_329 = arith.addf %add3A_325, %mul3A_328 : vector<16xf32>
      %add3A_330 = arith.addf %add3A_249, %add3A_329 : vector<16xf32>
      scf.yield %add3A_330 : vector<16xf32>
    }
    %swap3A_53 = arith.constant 0 : index
    %swap3A_54 = tpu.vector_load %arg11[%swap3A_53] {strides = array<i32>} : memref<16xf32, #tpu.memory_space<vmem>>, vector<16xf32>,
    %swap3A_55 = vector.shape_cast %swap3A_54 : vector<16xf32> to vector<16xf32>
    %swap3A_56 = vector.shape_cast %while3A_52 : vector<16xf32> to vector<16xf32>
    tpu.vector_store %arg11[%swap3A_53], %swap3A_56 {strides = array<i32>} : memref<16xf32, #tpu.memory_space<vmem>>, vector<16xf32>,
    "tpu.region"() ({
      %run_scoped3A = tpu.sem_alloc : memref<!tpu.dma_semaphore, #tpu.memory_space<semaphore_mem>>
      %dma_start3A_57 = arith.constant 0 : i32
      %dma_start3A_58 = tpu.memref_slice %arg4[%add3A, %dma_start3A_57] : memref<32x16xf32, #tpu.memory_space<hbm>> -> memref<1x16xf32, #tpu.memory_space<hbm>>
      %dma_start3A_59 = tpu.memref_squeeze %dma_start3A_58 : memref<1x16xf32, #tpu.memory_space<hbm>> -> memref<16xf32, #tpu.memory_space<hbm>>
      %dma_start3A_60 = arith.constant 0 : i32
      %dma_start3A_61 = tpu.memref_slice %arg4[%add3A, %dma_start3A_60] : memref<32x16xf32, #tpu.memory_space<hbm>> -> memref<1x16xf32, #tpu.memory_space<hbm>>
      %dma_start3A_62 = tpu.memref_squeeze %dma_start3A_61 : memref<1x16xf32, #tpu.memory_space<hbm>> -> memref<16xf32, #tpu.memory_space<hbm>>
      tpu.enqueue_dma source(%arg11 : memref<16xf32, #tpu.memory_space<vmem>>) target(%dma_start3A_62 : memref<16xf32, #tpu.memory_space<hbm>>) target_semaphore(%run_scoped3A : memref<!tpu.dma_semaphore, #tpu.memory_space<semaphore_mem>>)
      %dma_wait3A_63 = arith.constant 0 : i32
      %dma_wait3A_64 = tpu.memref_slice %arg4[%add3A, %dma_wait3A_63] : memref<32x16xf32, #tpu.memory_space<hbm>> -> memref<1x16xf32, #tpu.memory_space<hbm>>
      %dma_wait3A_65 = tpu.memref_squeeze %dma_wait3A_64 : memref<1x16xf32, #tpu.memory_space<hbm>> -> memref<16xf32, #tpu.memory_space<hbm>>
      %dma_wait3A_66 = arith.constant 0 : i32
      %dma_wait3A_67 = tpu.memref_slice %arg4[%add3A, %dma_wait3A_66] : memref<32x16xf32, #tpu.memory_space<hbm>> -> memref<1x16xf32, #tpu.memory_space<hbm>>
      %dma_wait3A_68 = tpu.memref_squeeze %dma_wait3A_67 : memref<1x16xf32, #tpu.memory_space<hbm>> -> memref<16xf32, #tpu.memory_space<hbm>>
      tpu.wait_dma2 semaphore(%run_scoped3A : memref<!tpu.dma_semaphore, #tpu.memory_space<semaphore_mem>>) src(%arg11 : memref<16xf32, #tpu.memory_space<vmem>>) dst(%dma_wait3A_68 : memref<16xf32, #tpu.memory_space<hbm>>)
      tpu.yield
    }) : () -> ()
    return
  }
}

</mosaic_0001>

<sc_bundles>
// kernel: kernel.3.cloned.1.call-start
scs
__scs_entry_jumppad:
0x0: {  	(pc) =	sbr.rel $0x88, $3  }
0x1: {  	(tag) =	ssettag $0x0;
	lr =	simm.s32 $0x1  }
0x2: {  	[smem:$0x3F9E] =	sst lr;
	_ =	strace $0xD0000000  }
0x3: {  	_ = 	snop  }
0x4: {  	_ = 	snop  }
0x5: {  	_ = 	snop  }
0x6: {  	_ = 	snop  }
0x7: {  	_ = 	snop  }
__scs_overlays_trampoline_lowered:
0x8: {  	[smem:$0x3FAD] =	sst s0  }
0x9: {  	[smem:$0x3FAE] =	sst s1  }
0xa: {  	[smem:$0x3FAF] =	sst s2  }
0xb: {  	[smem:$0x3FB0] =	sst s3  }
0xc: {  	[smem:$0x3FB1] =	sst s4  }
0xd: {  	[smem:$0x3FB2] =	sst s5  }
0xe: {  	[smem:$0x3FB3] =	sst s6  }
0xf: {  	[smem:$0x3FB4] =	sst s7  }
0x10: {  	[smem:$0x3FB5] =	sst s8  }
0x11: {  	[smem:$0x3FB6] =	sst s9;
	s0 =	simm.s32 @!p0 $0x0  }
0x12: {  	s1 =	sld [smem:$0x3F9C];
	s0 =	simm.s32 @p0 $0x1  }
0x13: {  	[smem:$0x3FB7] =	sst s0;
	s0 =	simm.s32 @!p1 $0x0  }
0x14: {  	s2 =	sld [smem:$0x3F9B];
	s0 =	simm.s32 @p1 $0x1  }
0x15: {  	[smem:$0x3FB8] =	sst s0;
	s0 =	simm.s32 @!p2 $0x0  }
0x16: {  	s3 =	sld [smem:$0x3FDB];
	s0 =	simm.s32 @p2 $0x1  }
0x17: {  	s4 =	simm.s32 $0x1BF5;
	[smem:$0x3FBA] =	sst s0  }
0x18: {  	s0 =	sld [smem:$0x3F9D];
	_ =	swait.ge [sflag:s4], $0x0  }
0x19: {  	s7 =	sld [smem:$0x3F9E]  }
0x1a: {  	s8 =	sadd.s32 $0xFFFFE003, lr  }
0x1b: {  	s9 =	sadd.s32 $0xFFFFFEF7, lr;
	s5 =	simm.s32 $0xFFFFFFFF;
	p2 =	slt.u32 s8, $0xFFFFF086  }
0x1c: {  	p1 =	slt.u32 s9, $0xF7A;
	s5 =	simm.s32 @!p2 $0x0  }
0x1d: {  	s5 =	simm.s32 @p1 $0x1;
	p0 =	seq.s32 s7, s2  }
0x1e: {  	s7 =	smul.u32 @!p0 $0xF7A, s2;
	p2 =	seq.s32 @!p0 s5, $0x0  }
0x1f: {  	s9 =	smul.u32 $0xF7A, s1;
	s8 =	simm.s32 @!p0 $0x1BF5;
	p2 =	por !p2, p0  }
0x20: {  	[sflag:s8] =	ssyncset.s32 @!p0 $0xFFFFF086;
	s6 =	sadd.s32 @!p0 s3, s7;
	s7 =	simm.s32 @!p0 $0x108  }
0x21: {  	s3 =	sadd.s32 s3, s9;
	s6 =	sadd.s32 @!p0 $0x88, s6;
	s7 =	simm.s32 @p2 $0x1082  }
0x22: {  	[simem:s7], [sflag:s8] =	dma.local @!p0 [hbm:s6], $0xF7A  }
0x23: {  	s9 =	sor.u32 $0xD0000000, s2;
	s6 =	simm.s32 $0x108;
	_ =	swait.ge @!p0 [sflag:s8], $0x0  }
0x24: {  	s3 =	sadd.s32 $0x88, s3;
	s6 =	simm.s32 @!p1 $0x1082;
	[sflag:s4] =	ssyncset.s32 $0xFFFFF086  }
0x25: {  	[simem:s6], [sflag:s4] =	dma.local [hbm:s3], $0xF7A  }
0x26: {  	[smem:$0x3F9E] =	sst s1;
	(tag) =	ssettag s2;
	_ =	strace s9  }
0x27: {  	s1 =	sld [smem:$0x3FAE]  }
0x28: {  	s2 =	sld [smem:$0x3FAF]  }
0x29: {  	s4 =	sld [smem:$0x3FB1]  }
0x2a: {  	p0 =	seq.s32 s5, $0x0;
	s5 =	sld [smem:$0x3FB2]  }
0x2b: {  	s6 =	sld [smem:$0x3FB3]  }
0x2c: {  	s7 =	sld [smem:$0x3FB4]  }
0x2d: {  	s3 =	simm.s32 $0x108;
	s8 =	sld [smem:$0x3FB5]  }
0x2e: {  	s3 =	simm.s32 @!p0 $0x1082;
	s9 =	sld [smem:$0x3FB6]  }
0x2f: {  	lr =	sadd.s32 s0, s3;
	s0 =	sld [smem:$0x3FAD]  }
0x30: {  	s3 =	sld [smem:$0x3FB0]  }
0x31: {  	[smem:$0x3FB9] =	sst s10  }
0x32: {  	s10 =	sld [smem:$0x3FB7];
	_ =	sdelay $0x3  }
0x33: {  	p0 =	seq.s32 s10, $0x1;
	s10 =	sld [smem:$0x3FB9];
	_ =	sdelay $0x3  }
0x34: {  	[smem:$0x3FB9] =	sst s10  }
0x35: {  	s10 =	sld [smem:$0x3FB8];
	_ =	sdelay $0x3  }
0x36: {  	p1 =	seq.s32 s10, $0x1;
	s10 =	sld [smem:$0x3FB9];
	_ =	sdelay $0x3  }
0x37: {  	[smem:$0x3FB9] =	sst s10  }
0x38: {  	s10 =	sld [smem:$0x3FBA]  }
0x39: {  	_ = 	snop;
	(pc) =	sbr.ind lr, $3  }
0x3a: {  	_ = 	snop  }
0x3b: {  	_ = 	snop  }
0x3c: {  	p2 =	seq.s32 s10, $0x1;
	s10 =	sld [smem:$0x3FB9]  }
0x3d: {  	_ =	shalt  }
0x3e: {  	_ =	shalt  }
0x3f: {  	_ =	shalt  }
0x40: {  	_ =	shalt  }
0x41: {  	_ =	shalt  }
0x42: {  	_ =	shalt  }
0x43: {  	_ =	shalt  }
0x44: {  	_ =	shalt  }
0x45: {  	_ =	shalt  }
0x46: {  	_ =	shalt  }
0x47: {  	_ =	shalt  }
0x48: {  	_ =	shalt  }
0x49: {  	_ =	shalt  }
0x4a: {  	_ =	shalt  }
0x4b: {  	_ =	shalt  }
0x4c: {  	_ =	shalt  }
0x4d: {  	_ =	shalt  }
0x4e: {  	_ =	shalt  }
0x4f: {  	_ =	shalt  }
0x50: {  	_ =	shalt  }
0x51: {  	_ =	shalt  }
0x52: {  	_ =	shalt  }
0x53: {  	_ =	shalt  }
0x54: {  	_ =	shalt  }
0x55: {  	_ =	shalt  }
0x56: {  	_ =	shalt  }
0x57: {  	_ =	shalt  }
0x58: {  	_ =	shalt  }
0x59: {  	_ =	shalt  }
0x5a: {  	_ =	shalt  }
0x5b: {  	_ =	shalt  }
0x5c: {  	_ =	shalt  }
0x5d: {  	_ =	shalt  }
0x5e: {  	_ =	shalt  }
0x5f: {  	_ =	shalt  }
0x60: {  	_ =	shalt  }
0x61: {  	_ =	shalt  }
0x62: {  	_ =	shalt  }
0x63: {  	_ =	shalt  }
0x64: {  	_ =	shalt  }
0x65: {  	_ =	shalt  }
0x66: {  	_ =	shalt  }
0x67: {  	_ =	shalt  }
0x68: {  	_ =	shalt  }
0x69: {  	_ =	shalt  }
0x6a: {  	_ =	shalt  }
0x6b: {  	_ =	shalt  }
0x6c: {  	_ =	shalt  }
0x6d: {  	_ =	shalt  }
0x6e: {  	_ =	shalt  }
0x6f: {  	_ =	shalt  }
0x70: {  	_ =	shalt  }
0x71: {  	_ =	shalt  }
0x72: {  	_ =	shalt  }
0x73: {  	_ =	shalt  }
0x74: {  	_ =	shalt  }
0x75: {  	_ =	shalt  }
0x76: {  	_ =	shalt  }
0x77: {  	_ =	shalt  }
0x78: {  	_ =	shalt  }
0x79: {  	_ =	shalt  }
0x7a: {  	_ =	shalt  }
0x7b: {  	_ =	shalt  }
0x7c: {  	_ =	shalt  }
0x7d: {  	_ =	shalt  }
0x7e: {  	_ =	shalt  }
0x7f: {  	_ =	shalt  }
0x80: {  	_ =	shalt  }
0x81: {  	_ =	shalt  }
0x82: {  	_ =	shalt  }
0x83: {  	_ =	shalt  }
0x84: {  	_ =	shalt  }
0x85: {  	_ =	shalt  }
0x86: {  	_ =	shalt  }
0x87: {  	_ =	shalt  }
.Lfunc_end0:
.L_simem_size_0:
called_computation_lowered:
.L_overlay_start_0:
0x88: {  	s2 =	sld [smem:$0x3FD9]  }
0x89: {  	s3 =	sld [smem:$0x3FFE];
	_ =	sdelay $0x1  }
0x8a: {  	s1 =	srdreg.scid  }
0x8b: {  	s0 =	sand.u32 $0x1, s1  }
0x8c: {  	s16 =	sshll.u32 s0, $0xA;
	s2 =	sadd.s32 s3, s2  }
0x8d: {  	s2 =	sadd.s32 s2, s16  }
0x8e: {  	[smem:$0x3FC5] =	sst s2  }
0x8f: {  	_ = 	snop  }
0x90: {  	(tm) =	ssettm $0x1  }
0x91: {  	s17 =	sld [smem:$0x3FFB];
	_ =	sdelay $0x3  }
0x92: {  	_ =	strace s17  }
0x93: {  	s2 =	sld [smem:$0x3FFC];
	_ =	sdelay $0x3  }
0x94: {  	_ =	strace s2  }
0x95: {  	s2 =	sld [smem:$0x3FFD];
	_ =	sdelay $0x3  }
0x96: {  	_ =	strace s2  }
0x97: {  	_ =	strace $0x8FFFFFFF  }
0x98: {  	s18 =	sld [smem:$0x3FDB];
	_ =	sdelay $0x1  }
0x99: {  	s19 =	simm.s32 $_scs_section_size  }
0x9a: {  	s4 =	simm.s32 $_size__tile_overlayer_lowered;
	s5 =	simm.s32 $_tile_overlayer_lowered  }
0x9b: {  	s22 =	simm.s32 $0x1BFF;
	s21 =	sshll.u32 s5, $0x1;
	s2 =	sadd.s32 s19, s18  }
0x9c: {  	s6 =	simm.s32 $0x0;
	s20 =	sshll.u32 s4, $0x1;
	s4 =	sadd.s32 s21, s2  }
0x9d: {  	[timem:s6], [sflag:s22] =	dma.local [hbm:s4], s20  }
0x9e: {  	_ =	swait.ge [sflag:s22], s20  }
0x9f: {  	s3 =	ssub.s32 $0x0, s20;
	[sflag:s22] =	ssyncset.done $0x0  }
0xa0: {  	[sflag:s22] =	ssyncadd.s32 s3;
	_ =	sdelay $0x1  }
0xa1: {  	s23 =	simm.s32 $0x1B8B  }
0xa2: {  	_ =	swait.ge [sflag:s23], $0x1  }
0xa3: {  	[sflag:s23] =	ssyncset.done $0x0  }
0xa4: {  	s25 =	simm.s32 $0x1B8E;
	s24 =	sld [smem:$0x3FFE];
	[sflag:s23] =	ssyncadd.s32 $0xFFFFFFFF  }
0xa5: {  	s26 =	simm.s32 $execute0_lowered;
	[smem:$0x3FD2] =	sst s25  }
0xa6: {  	s4 =	sshll.u32 s26, $0x1;
	_ =	strace $0x80000046;
	[dreg:$0x1] =	wrdreg $0xFFFFFFFF  }
0xa7: {  	s28 =	simm.s32 $_size_execute0_lowered;
	s2 =	sadd.s32 s2, s4;
	[dreg:$0x0] =	wrdreg $0x0  }
0xa8: {  	s4 =	sshll.u32 s28, $0x1;
	[dreg:$0x2] =	wrdreg s2  }
0xa9: {  	[dreg:$0x3] =	wrdreg s4  }
0xaa: {  	[dreg:$0x4] =	wrdreg $0xC0  }
0xab: {  	_ =	task [dreg:s6], $0x5FFFF  }
0xac: {  	[dreg:$0x1] =	wrdreg $0xFFFFFFFF  }
0xad: {  	[dreg:$0x0] =	wrdreg $0x60  }
0xae: {  	[dreg:$0x2] =	wrdreg s24  }
0xaf: {  	[dreg:$0x3] =	wrdreg $0x9  }
0xb0: {  	_ =	task.clear_ibuf [dreg:s6], $0x4FFFF;
	_ =	strace $0x90000046  }
0xb1: {  	s29 =	simm.s32 $0x9;
	_ =	strace $0x80000048  }
0xb2: {  	_ =	swait.ge [sflag:s29], $0x1  }
0xb3: {  	[sflag:s29] =	ssyncadd.s32 $0xFFFFFFFF  }
0xb4: {  	_ =	strace $0x90000048  }
0xb5: {  	_ =	sfence  }
0xb6: {  	s30 =	sld [smem:$0x0];
	_ =	sdelay $0x2  }
0xb7: {  	s31 =	sshll.u32 s1, $0xD;
	s1 =	sshrl.u32 s1, $0x2  }
0xb8: {  	s3 =	sand.u32 $0x4000, s31;
	s1 =	sadd.s32 s1, s30  }
0xb9: {  	s0 =	sor.u32 s3, s0;
	s1 =	sshll.u32 s1, $0x11  }
0xba: {  	s0 =	sor.u32 s1, s0  }
0xbb: {  	s0 =	sadd.s32 $0x8F2B, s0  }
0xbc: {  	[sflag:s0] =	ssyncadd.remote.s32 $0x1  }
0xbd: {  	_ =	sfence.sel $0xFFFF  }
0xbe: {  	[dreg:$0x0] =	wrdreg $0xFFFFFFFF;
	(pc) =	sbr.abs _section_cstart, $3  }
0xbf: {  	[dreg:$0x1] =	wrdreg $0xFFFFFFFF  }
0xc0: {  	_ =	task.clear_ibuf [dreg:s6], $0x2FFFF;
	_ =	strace $0x9FFFFFFF  }
0xc1: {  	(tm) =	ssettm $0x7FFFFFFF  }
tec
execute0_lowered:
.L_overlay_start_1:
0x0: {  	(tag) =	ssettag $0x1  }
0x1: {  	s2 =	rddreg [dreg:$0x0]  }
0x2: {  	s0 =	rddreg [dreg:$0x1];
	s4 =	srdreg.scid  }
0x3: {  	s3 =	simm.s32 $0x0;
	s1 =	stileid.u32;
	s13 =	simm.s32 $0x1800  }
0x4: {  	s14 =	simm.s32 $0x10;
	s15 =	simm.s32 $0x2000;
	s16 =	simm.s32 $0x2080  }
0x5: {  	s17 =	simm.s32 $0x1;
	s18 =	simm.s32 $0x2100;
	s19 =	simm.s32 $0x2  }
0x6: {  	s20 =	simm.s32 $0x0;
	s5 =	sand.u32 $0x1, s4;
	[smem:$0x7FF] =	sst s3  }
0x7: {  	s6 =	sshll.u32 s1, $0xC;
	s12 =	sshll.u32 s1, $0x5;
	s4 =	sshll.u32 s5, $0xB  }
0x8: {  	_ =	strace $0x80000047;
	s7 =	ssub.s32 $0x2, s5;
	s5 =	sshll.u32 s5, $0x4  }
0x9: {  	s6 =	sor.u32 s4, s6;
	s8 =	sshrl.u32 s7, $0x1;
	s10 =	sadd.s32 s5, s2  }
0xa: {  	s6 =	sshrl.u32 s6, $0x3;
	s11 =	ssub.s32 s7, s8;
	s31 =	sadd.s32 s12, s10  }
0xb: {  	s12 =	simm.s32 $0x1000;
	s9 =	sadd.s32 s6, s2;
	s10 =	smax.u32 s11, $0x1  }
0xc: {  	s11 =	simm.s32 $0x800;
	s5 =	sadd.s32 $0x200, s9;
	s6 =	sadd.s32 $0x2200, s9  }
0xd: {  	v1 =	vlaneseq.u32;
	v2 =	vimm.s32 $0x0;
	v0 =	vmov s1;
	s7 =	sadd.s32 $0x4200, s9;
	s8 =	sadd.s32 $0x6200, s9;
	s9 =	sadd.s32 $0x8200, s31  }
.LBB2_1:
0xe: {  	[tilespmem:s3], [sflag:$0x1] =	stream.linear.gather [hbm4b:s5+s3], $0x800, $0x38;
	[tilespmem:$0x2180] =	vst v63  }
0xf: {  	_ = 	snop  }
0x10: {  	[tilespmem:s11], [sflag:$0x1] =	stream.linear.gather [hbm4b:s6+s3], $0x800, $0x38;
	[tilespmem:$0x2180] =	vst v63  }
0x11: {  	_ = 	snop  }
0x12: {  	[tilespmem:s12], [sflag:$0x1] =	stream.linear.gather [hbm4b:s7+s3], $0x800, $0x38;
	[tilespmem:$0x2180] =	vst v63  }
0x13: {  	_ = 	snop  }
0x14: {  	[tilespmem:s13], [sflag:$0x1] =	stream.linear.gather [hbm4b:s8+s3], $0x800, $0x38;
	[tilespmem:$0x2180] =	vst v63  }
0x15: {  	[tilespmem:$0x2000] =	vst v0  }
0x16: {  	[tilespmem:s16], [sflag:$0x1] =	stream.indirect.gather [hbm4b:s2+s14], $0x1, s15, s14, $0xb8;
	[tilespmem:$0x2180] =	vst v63  }
0x17: {  	_ =	swait.ge [sflag:s17], $0x800  }
0x18: {  	[sflag:s17] =	ssyncset.done $0x0  }
0x19: {  	[sflag:s17] =	ssyncadd.s32 $0xFFFFF800  }
0x1a: {  	_ =	swait.ge [sflag:s17], $0x800  }
0x1b: {  	[sflag:s17] =	ssyncset.done $0x0  }
0x1c: {  	[sflag:s17] =	ssyncadd.s32 $0xFFFFF800  }
0x1d: {  	_ =	swait.ge [sflag:s17], $0x800  }
0x1e: {  	[sflag:s17] =	ssyncset.done $0x0  }
0x1f: {  	[sflag:s17] =	ssyncadd.s32 $0xFFFFF800  }
0x20: {  	_ =	swait.ge [sflag:s17], $0x800  }
0x21: {  	[sflag:s17] =	ssyncset.done $0x0  }
0x22: {  	[sflag:s17] =	ssyncadd.s32 $0xFFFFF800  }
0x23: {  	_ =	swait.ge [sflag:s17], $0x10  }
0x24: {  	[sflag:s17] =	ssyncset.done $0x0  }
0x25: {  	[sflag:s17] =	ssyncadd.s32 $0xFFFFFFF0  }
0x26: {  	s21 =	simm.s32 $0x20;
	v6 =	vld [tilespmem:$0x2080]  }
0x27: {  	s22 =	simm.s32 $0x820;
	v3 =	vld [tilespmem:s21+$0x0]  }
0x28: {  	v4 =	vld [tilespmem:s22+$0x0]  }
0x29: {  	v5 =	vld [tilespmem:s21+$0x10]  }
0x2a: {  	v7 =	vld [tilespmem:s22+$0x10]  }
0x2b: {  	v8 =	vld [tilespmem:s21+$0xFFFFFFE0]  }
0x2c: {  	v9 =	vld [tilespmem:s22+$0xFFFFFFE0]  }
0x2d: {  	v10 =	vld [tilespmem:s21+$0xFFFFFFF0]  }
0x2e: {  	s25 =	simm.s32 $0x1020;
	s23 =	sadd.s32 $0x0, s4;
	v11 =	vld [tilespmem:s22+$0xFFFFFFF0]  }
0x2f: {  	s26 =	simm.s32 $0x1820;
	s24 =	sadd.s32 $0x20, s23;
	v12 =	vld [tilespmem:s25+$0x0]  }
0x30: {  	v13 =	vor.u32 s23, v1;
	s28 =	sadd.s32 $0x30, s23;
	s23 =	sadd.s32 $0x10, s23;
	v14 =	vor.u32 s24, v1;
	v15 =	vld [tilespmem:s26+$0x0]  }
0x31: {  	v16 =	vor.u32 s28, v1;
	v17 =	vld [tilespmem:s25+$0xFFFFFFE0];
	vm0 =	vlt.s32 v13, v6;
	v13 =	vor.u32 s23, v1  }
0x32: {  	vm1 =	vlt.s32 v14, v6;
	vm2 =	vlt.s32 v16, v6;
	vm4 =	veq.f32 v3, $1.000000000e+00;
	v3 =	vld [tilespmem:s25+$0xFFFFFFF0]  }
0x33: {  	vm5 =	veq.f32 v4, $1.000000000e+00;
	vm6 =	veq.f32 v8, $1.000000000e+00;
	vm7 =	veq.f32 v5, $1.000000000e+00;
	v4 =	vld [tilespmem:s26+$0xFFFFFFF0]  }
0x34: {  	vm8 =	veq.f32 v7, $1.000000000e+00;
	vm9 =	veq.f32 v9, $1.000000000e+00;
	vm3 =	vlt.s32 v13, v6;
	v13 =	vld [tilespmem:s26+$0xFFFFFFE0]  }
0x35: {  	v5 =	vld [tilespmem:s25+$0x10];
	vm10 =	veq.f32 v10, $1.000000000e+00;
	vm11 =	veq.f32 v11, $1.000000000e+00;
	vm4 =	vmand vm1, vm4  }
0x36: {  	v7 =	vld [tilespmem:s26+$0x10];
	vm1 =	vmand vm1, vm5;
	vm5 =	vmand vm0, vm6;
	vm13 =	vmand vm2, vm7  }
0x37: {  	vm2 =	vmand vm2, vm8;
	vm0 =	vmand vm0, vm9;
	vm14 =	vmand vm3, vm10  }
0x38: {  	vm3 =	vmand vm3, vm11;
	v8 =	vnsel vm4, $0x3F800000, v12;
	v9 =	vnsel vm5, $0x3F800000, v17  }
0x39: {  	v3 =	vnsel vm14, $0x3F800000, v3;
	v4 =	vnsel vm3, $0x3F800000, v4;
	v10 =	vnsel vm0, $0x3F800000, v13  }
0x3a: {  	v11 =	vnsel vm1, $0x3F800000, v15;
	v3 =	vmul.f32 v4, v3;
	v9 =	vmul.f32 v10, v9  }
0x3b: {  	v8 =	vmul.f32 v11, v8;
	v4 =	vnsel vm13, $0x3F800000, v5;
	v5 =	vnsel vm2, $0x3F800000, v7  }
0x3c: {  	v4 =	vmul.f32 v5, v4;
	v7 =	vmul.f32 v3, v9;
	_ =	sdelay $0x1  }
0x3d: {  	v8 =	vmul.f32 v4, v8;
	v3 =	vand.u32 $0x7FFFFF, v7  }
0x3e: {  	v3 =	vor.u32 $0x3F000000, v3  }
0x3f: {  	v4 =	vand.u32 $0x7FFFFF, v8;
	vm1 =	vlt.f32 v3, $7.071067690e-01  }
0x40: {  	v5 =	vor.u32 $0x3F000000, v4;
	v4 =	vnsel vm1, $0x80000000, v3  }
0x41: {  	vm0 =	vlt.f32 v5, $7.071067690e-01;
	v3 =	vadd.f32 v3, v4  }
0x42: {  	v9 =	vnsel vm0, $0x80000000, v5  }
0x43: {  	v4 =	vadd.f32 $-1.000000000e+00, v3;
	v3 =	vadd.f32 v5, v9;
	_ =	sdelay $0x1  }
0x44: {  	s22 =	simm.s32 $0x860;
	v5 =	vmul.f32 $7.037683580e-02, v4;
	v3 =	vadd.f32 $-1.000000000e+00, v3  }
0x45: {  	s21 =	simm.s32 $0x60;
	v18 =	vld [tilespmem:s22+$0xFFFFFFE0]  }
0x46: {  	v20 =	vld [tilespmem:s21+$0xFFFFFFF0];
	v12 =	vadd.f32 $-1.151461010e-01, v5;
	v13 =	vmul.f32 $7.037683580e-02, v3  }
0x47: {  	v10 =	vld [tilespmem:s22+$0x0]  }
0x48: {  	s29 =	sadd.s32 $0x40, s4;
	v14 =	vld [tilespmem:s22+$0x10];
	v12 =	vmul.f32 v12, v4;
	v13 =	vadd.f32 $-1.151461010e-01, v13  }
0x49: {  	s31 =	sadd.s32 $0x30, s29;
	v9 =	vld [tilespmem:s21+$0x0]  }
0x4a: {  	s30 =	sadd.s32 $0x20, s29;
	v19 =	vor.u32 s31, v1;
	s24 =	simm.s32 $0x1860;
	v16 =	vld [tilespmem:s21+$0xFFFFFFE0];
	v12 =	vadd.f32 $1.167699840e-01, v12;
	v13 =	vmul.f32 v13, v3  }
0x4b: {  	vm12 =	veq.f32 v20, $1.000000000e+00;
	v20 =	vld [tilespmem:s24+$0xFFFFFFE0];
	v15 =	vor.u32 s29, v1;
	v17 =	vor.u32 s30, v1  }
0x4c: {  	s23 =	sadd.s32 $0x10, s29;
	v11 =	vld [tilespmem:s21+$0x10];
	vm7 =	veq.f32 v10, $1.000000000e+00;
	v10 =	vmul.f32 v12, v4;
	v12 =	vadd.f32 $1.167699840e-01, v13  }
0x4d: {  	vm3 =	vlt.s32 v17, v6;
	v17 =	vld [tilespmem:s22+$0xFFFFFFF0];
	vm2 =	vlt.s32 v15, v6;
	v15 =	vor.u32 s23, v1;
	s23 =	simm.s32 $0x1060  }
0x4e: {  	vm6 =	veq.f32 v9, $1.000000000e+00;
	v9 =	vld [tilespmem:s23+$0x0];
	v10 =	vadd.f32 $-1.242014100e-01, v10;
	v12 =	vmul.f32 v12, v3  }
0x4f: {  	vm4 =	vlt.s32 v19, v6;
	vm11 =	veq.f32 v18, $1.000000000e+00;
	vm8 =	veq.f32 v16, $1.000000000e+00;
	v13 =	vld [tilespmem:s24+$0x0]  }
0x50: {  	v19 =	vld [tilespmem:s24+$0x10];
	vm10 =	veq.f32 v14, $1.000000000e+00;
	v10 =	vmul.f32 v10, v4;
	v12 =	vadd.f32 $-1.242014100e-01, v12  }
0x51: {  	vm5 =	vlt.s32 v15, v6;
	v16 =	vld [tilespmem:s23+$0xFFFFFFE0];
	vm8 =	vmand vm2, vm8;
	vm9 =	veq.f32 v11, $1.000000000e+00  }
0x52: {  	v11 =	vld [tilespmem:s23+$0x10];
	vm6 =	vmand vm3, vm6;
	v10 =	vadd.f32 $1.424932330e-01, v10;
	v12 =	vmul.f32 v12, v3  }
0x53: {  	vm13 =	veq.f32 v17, $1.000000000e+00;
	v17 =	vld [tilespmem:s24+$0xFFFFFFF0];
	vm7 =	vmand vm3, vm7;
	v14 =	vnsel vm6, $0x3F800000, v9  }
0x54: {  	v15 =	vnsel vm7, $0x3F800000, v13;
	v13 =	vld [tilespmem:s23+$0xFFFFFFF0];
	v9 =	vmul.f32 v10, v4;
	v10 =	vadd.f32 $1.424932330e-01, v12  }
0x55: {  	vm15 =	vmand vm2, vm11;
	vm9 =	vmand vm4, vm9;
	vm4 =	vmand vm4, vm10  }
0x56: {  	vm2 =	vmand vm5, vm12;
	v20 =	vnsel vm15, $0x3F800000, v20;
	v19 =	vnsel vm4, $0x3F800000, v19  }
0x57: {  	v16 =	vnsel vm8, $0x3F800000, v16;
	v18 =	vnsel vm9, $0x3F800000, v11;
	v5 =	vimm.f32 $0.0e+00  }
0x58: {  	s25 =	simm.s32 $0x80;
	vm3 =	vmand vm5, vm13;
	v11 =	vadd.f32 $-1.666805740e-01, v9;
	v12 =	vmul.f32 v10, v3;
	v9 =	vmovc v4;
	v10 =	vmovc v3  }
.LBB2_2:
0x59: {  	p0 =	sne.s32 s25, $0x7C0;
	v13 =	vnsel vm2, $0x3F800000, v13;
	v17 =	vnsel vm3, $0x3F800000, v17;
	v14 =	vmul.f32 v15, v14  }
0x5a: {  	s26 =	sadd.s32 s25, s4;
	v15 =	vmul.f32 v19, v18;
	v11 =	vmul.f32 v11, v4;
	v12 =	vadd.f32 $-1.666805740e-01, v12  }
0x5b: {  	v16 =	vmul.f32 v20, v16;
	v18 =	vor.u32 s26, v1;
	v13 =	vmul.f32 v17, v13  }
0x5c: {  	s28 =	sadd.s32 $0x20, s26;
	v14 =	vmul.f32 v15, v14;
	v11 =	vadd.f32 $2.000071410e-01, v11;
	v12 =	vmul.f32 v12, v3  }
0x5d: {  	v15 =	vor.u32 s28, v1;
	v13 =	vmul.f32 v13, v16;
	v16 =	vshra.s32 v8, $0x17  }
0x5e: {  	v17 =	vand.u32 $0x7FFFFF, v14;
	v8 =	vmovc v14;
	v11 =	vmul.f32 v11, v4;
	v12 =	vadd.f32 $2.000071410e-01, v12  }
0x5f: {  	v19 =	vshra.s32 v7, $0x17;
	v14 =	vand.u32 $0x7FFFFF, v13;
	v17 =	vor.u32 $0x3F000000, v17;
	v7 =	vmovc v13  }
0x60: {  	v13 =	vor.u32 $0x3F000000, v14;
	v11 =	vadd.f32 $-2.499999400e-01, v11;
	v12 =	vmul.f32 v12, v3  }
0x61: {  	v20 =	vsel vm0, $0xFFFFFFFF, v2;
	v14 =	vsel vm1, $0xFFFFFFFF, v2;
	vm0 =	vlt.f32 v17, $7.071067690e-01  }
0x62: {  	v16 =	vadd.s32 v20, v16;
	v11 =	vmul.f32 v11, v4;
	v12 =	vadd.f32 $-2.499999400e-01, v12  }
0x63: {  	v16 =	vadd.s32 $0xFFFFFF82, v16;
	vm1 =	vlt.f32 v13, $7.071067690e-01;
	v14 =	vadd.s32 v14, v19  }
0x64: {  	v14 =	vadd.s32 $0xFFFFFF82, v14;
	v11 =	vadd.f32 $3.333333130e-01, v11;
	v12 =	vmul.f32 v12, v3  }
0x65: {  	v16 =	vcvt.s32.f32 v16;
	v19 =	vnsel vm1, $0x80000000, v13;
	v14 =	vcvt.s32.f32 v14  }
0x66: {  	v20 =	vmul.f32 v9, v4;
	v9 =	vmul.f32 v11, v4;
	v11 =	vadd.f32 $3.333333130e-01, v12  }
0x67: {  	v12 =	vadd.f32 v13, v19;
	v13 =	vmul.f32 $2.121944420e-04, v14;
	v19 =	vmul.f32 v10, v3  }
0x68: {  	v10 =	vnsel vm0, $0x80000000, v17;
	v21 =	vmul.f32 v9, v20;
	v11 =	vmul.f32 v11, v3  }
0x69: {  	v10 =	vadd.f32 v17, v10;
	v9 =	vadd.f32 $-1.000000000e+00, v12;
	v12 =	vmul.f32 $2.121944420e-04, v16  }
0x6a: {  	s21 =	sadd.s32 $0x40, s21;
	s28 =	sadd.s32 $0x30, s26;
	v17 =	vmul.f32 $5.000000000e-01, v20;
	v13 =	vsub.f32 v21, v13;
	v11 =	vmul.f32 v11, v19  }
0x6b: {  	s22 =	sadd.s32 $0x40, s22;
	v10 =	vadd.f32 $-1.000000000e+00, v10;
	v21 =	vor.u32 s28, v1;
	v22 =	vmul.f32 $7.037683580e-02, v9;
	v20 =	vld [tilespmem:s21+$0x0]  }
0x6c: {  	v23 =	vld [tilespmem:s22+$0x0];
	v13 =	vsub.f32 v13, v17;
	v11 =	vsub.f32 v11, v12;
	v12 =	vmul.f32 $5.000000000e-01, v19  }
0x6d: {  	vm2 =	vlt.s32 v18, v6;
	v18 =	vadd.f32 $-1.151461010e-01, v22;
	v19 =	vmul.f32 $7.037683580e-02, v10;
	v17 =	vld [tilespmem:s21+$0x10]  }
0x6e: {  	s26 =	sadd.s32 $0x10, s26;
	v14 =	vmul.f32 $6.933593750e-01, v14;
	v22 =	vld [tilespmem:s22+$0x10];
	v13 =	vadd.f32 v13, v4;
	v11 =	vsub.f32 v11, v12;
	v4 =	vmovc v9  }
0x6f: {  	v24 =	vor.u32 s26, v1;
	v19 =	vadd.f32 $-1.151461010e-01, v19;
	v12 =	vld [tilespmem:s21+$0xFFFFFFE0];
	v18 =	vmul.f32 v18, v4  }
0x70: {  	v25 =	vld [tilespmem:s22+$0xFFFFFFE0];
	v13 =	vadd.f32 v13, v14;
	v11 =	vadd.f32 v11, v3;
	v14 =	vmul.f32 $6.933593750e-01, v16;
	v3 =	vmovc v10  }
0x71: {  	vm5 =	vlt.s32 v15, v6;
	vm3 =	vlt.s32 v21, v6;
	v16 =	vld [tilespmem:s21+$0xFFFFFFF0];
	v15 =	vadd.f32 $1.167699840e-01, v18  }
0x72: {  	s23 =	sadd.s32 $0x40, s23;
	v19 =	vmul.f32 v19, v3;
	v18 =	vld [tilespmem:s22+$0xFFFFFFF0];
	v5 =	vadd.f32 v13, v5;
	v11 =	vadd.f32 v11, v14  }
0x73: {  	s24 =	sadd.s32 $0x40, s24;
	vm4 =	vlt.s32 v24, v6;
	vm6 =	veq.f32 v20, $1.000000000e+00;
	vm7 =	veq.f32 v23, $1.000000000e+00;
	v14 =	vld [tilespmem:s23+$0x0]  }
0x74: {  	v13 =	vmul.f32 v15, v4;
	v15 =	vadd.f32 $1.167699840e-01, v19;
	v20 =	vld [tilespmem:s24+$0x0];
	v5 =	vadd.f32 v11, v5  }
0x75: {  	vm9 =	veq.f32 v17, $1.000000000e+00;
	vm10 =	veq.f32 v22, $1.000000000e+00;
	vm8 =	veq.f32 v12, $1.000000000e+00;
	v11 =	vld [tilespmem:s23+$0x10]  }
0x76: {  	vm11 =	veq.f32 v25, $1.000000000e+00;
	v13 =	vadd.f32 $-1.242014100e-01, v13;
	v15 =	vmul.f32 v15, v3;
	v12 =	vld [tilespmem:s24+$0x10]  }
0x77: {  	vm6 =	vmand vm5, vm6;
	vm12 =	veq.f32 v16, $1.000000000e+00;
	v19 =	vld [tilespmem:s23+$0xFFFFFFE0];
	vm13 =	veq.f32 v18, $1.000000000e+00  }
0x78: {  	vm5 =	vmand vm5, vm7;
	v16 =	vmul.f32 v13, v4;
	v15 =	vadd.f32 $-1.242014100e-01, v15;
	v21 =	vld [tilespmem:s24+$0xFFFFFFE0]  }
0x79: {  	vm7 =	vmand vm2, vm8;
	vm8 =	vmand vm3, vm9;
	vm9 =	vmand vm3, vm10;
	v13 =	vld [tilespmem:s23+$0xFFFFFFF0]  }
.Ltmp0:
0x7a: {  	vm10 =	vmand vm2, vm11;
	v16 =	vadd.f32 $1.424932330e-01, v16;
	v18 =	vmul.f32 v15, v3;
	v17 =	vld [tilespmem:s24+$0xFFFFFFF0];
	(pc) =	sbr.rel @p0 .LBB2_2-.Ltmp0, $4  }
0x7b: {  	vm2 =	vmand vm4, vm12;
	vm3 =	vmand vm4, vm13;
	v14 =	vnsel vm6, $0x3F800000, v14  }
0x7c: {  	v15 =	vnsel vm5, $0x3F800000, v20;
	v22 =	vmul.f32 v16, v4;
	v23 =	vadd.f32 $1.424932330e-01, v18  }
0x7d: {  	v18 =	vnsel vm8, $0x3F800000, v11;
	v16 =	vnsel vm7, $0x3F800000, v19;
	v19 =	vnsel vm9, $0x3F800000, v12  }
0x7e: {  	s25 =	sadd.s32 $0x40, s25;
	v20 =	vnsel vm10, $0x3F800000, v21;
	v11 =	vadd.f32 $-1.666805740e-01, v22;
	v12 =	vmul.f32 v23, v3  }
0x7f: {  	v6 =	vnsel vm2, $0x3F800000, v13;
	v31 =	vnsel vm3, $0x3F800000, v17  }
0x80: {  	v16 =	vmul.f32 v20, v16;
	v6 =	vmul.f32 v31, v6  }
0x81: {  	v32 =	vmul.f32 v15, v14  }
0x82: {  	v33 =	vmul.f32 v19, v18;
	v6 =	vmul.f32 v6, v16;
	_ =	sdelay $0x1  }
0x83: {  	v13 =	vmul.f32 v33, v32;
	v34 =	vand.u32 $0x7FFFFF, v6  }
0x84: {  	v14 =	vor.u32 $0x3F000000, v34  }
0x85: {  	v35 =	vand.u32 $0x7FFFFF, v13;
	vm14 =	vlt.f32 v14, $7.071067690e-01  }
0x86: {  	v15 =	vor.u32 $0x3F000000, v35;
	v36 =	vnsel vm14, $0x80000000, v14  }
0x87: {  	vm15 =	vlt.f32 v15, $7.071067690e-01;
	v14 =	vadd.f32 v14, v36  }
0x88: {  	v37 =	vnsel vm15, $0x80000000, v15  }
0x89: {  	v15 =	vadd.f32 v15, v37;
	v14 =	vadd.f32 $-1.000000000e+00, v14;
	_ =	sdelay $0x1  }
0x8a: {  	v15 =	vadd.f32 $-1.000000000e+00, v15;
	v38 =	vmul.f32 $7.037683580e-02, v14;
	_ =	sdelay $0x1  }
0x8b: {  	v39 =	vmul.f32 $7.037683580e-02, v15;
	v16 =	vadd.f32 $-1.151461010e-01, v38;
	_ =	sdelay $0x1  }
0x8c: {  	v17 =	vadd.f32 $-1.151461010e-01, v39;
	v16 =	vmul.f32 v16, v14;
	_ =	sdelay $0x1  }
0x8d: {  	v17 =	vmul.f32 v17, v15;
	v16 =	vadd.f32 $1.167699840e-01, v16;
	_ =	sdelay $0x1  }
0x8e: {  	v17 =	vadd.f32 $1.167699840e-01, v17;
	v16 =	vmul.f32 v16, v14  }
0x8f: {  	v8 =	vshra.s32 v8, $0x17;
	v7 =	vshra.s32 v7, $0x17;
	v40 =	vsel vm0, $0xFFFFFFFF, v2  }
0x90: {  	v9 =	vmul.f32 v9, v4;
	v17 =	vmul.f32 v17, v15;
	v16 =	vadd.f32 $-1.242014100e-01, v16  }
0x91: {  	v41 =	vsel vm1, $0xFFFFFFFF, v2;
	v10 =	vmul.f32 v10, v3;
	v11 =	vmul.f32 v11, v4  }
0x92: {  	v8 =	vadd.s32 v40, v8;
	v17 =	vadd.f32 $-1.242014100e-01, v17;
	v16 =	vmul.f32 v16, v14  }
0x93: {  	v12 =	vadd.f32 $-1.666805740e-01, v12;
	v7 =	vadd.s32 v41, v7;
	v8 =	vadd.s32 $0xFFFFFF82, v8  }
0x94: {  	v7 =	vadd.s32 $0xFFFFFF82, v7;
	v17 =	vmul.f32 v17, v15;
	v16 =	vadd.f32 $1.424932330e-01, v16  }
0x95: {  	v11 =	vadd.f32 $2.000071410e-01, v11;
	v12 =	vmul.f32 v12, v3;
	v7 =	vcvt.s32.f32 v7  }
0x96: {  	v8 =	vcvt.s32.f32 v8;
	v17 =	vadd.f32 $1.424932330e-01, v17;
	v16 =	vmul.f32 v16, v14  }
0x97: {  	v13 =	vshra.s32 v13, $0x17;
	v11 =	vmul.f32 v11, v4;
	v12 =	vadd.f32 $2.000071410e-01, v12  }
0x98: {  	v42 =	vmul.f32 $2.121944420e-04, v7;
	v17 =	vmul.f32 v17, v15;
	v16 =	vadd.f32 $-1.666805740e-01, v16  }
0x99: {  	v43 =	vmul.f32 $2.121944420e-04, v8;
	v6 =	vshra.s32 v6, $0x17;
	v7 =	vmul.f32 $6.933593750e-01, v7  }
0x9a: {  	v44 =	vsel vm15, $0xFFFFFFFF, v2;
	v17 =	vadd.f32 $-1.666805740e-01, v17;
	v16 =	vmul.f32 v16, v14  }
0x9b: {  	v11 =	vadd.f32 $-2.499999400e-01, v11;
	v12 =	vmul.f32 v12, v3;
	v13 =	vadd.s32 v44, v13  }
0x9c: {  	v45 =	vsel vm14, $0xFFFFFFFF, v2;
	v17 =	vmul.f32 v17, v15;
	v16 =	vadd.f32 $2.000071410e-01, v16  }
0x9d: {  	v12 =	vadd.f32 $-2.499999400e-01, v12;
	v11 =	vmul.f32 v11, v4;
	v6 =	vadd.s32 v45, v6  }
0x9e: {  	v13 =	vadd.s32 $0xFFFFFF82, v13;
	v17 =	vadd.f32 $2.000071410e-01, v17;
	v16 =	vmul.f32 v16, v14  }
0x9f: {  	v6 =	vadd.s32 $0xFFFFFF82, v6;
	v12 =	vmul.f32 v12, v3;
	v11 =	vadd.f32 $3.333333130e-01, v11  }
0xa0: {  	v46 =	vcvt.s32.f32 v13;
	v17 =	vmul.f32 v17, v15;
	v16 =	vadd.f32 $-2.499999400e-01, v16  }
0xa1: {  	v6 =	vcvt.s32.f32 v6;
	v11 =	vmul.f32 v11, v4;
	v12 =	vadd.f32 $3.333333130e-01, v12  }
0xa2: {  	v49 =	vmul.f32 v15, v15;
	v17 =	vadd.f32 $-2.499999400e-01, v17;
	v16 =	vmul.f32 v16, v14  }
0xa3: {  	v11 =	vmul.f32 v11, v9;
	v12 =	vmul.f32 v12, v3  }
0xa4: {  	v47 =	vmul.f32 v14, v14;
	v17 =	vmul.f32 v17, v15;
	v16 =	vadd.f32 $3.333333130e-01, v16  }
0xa5: {  	v9 =	vmul.f32 $5.000000000e-01, v9;
	v11 =	vsub.f32 v11, v42;
	v12 =	vmul.f32 v12, v10  }
0xa6: {  	v48 =	vmul.f32 $2.121944420e-04, v6;
	v17 =	vadd.f32 $3.333333130e-01, v17;
	v16 =	vmul.f32 v16, v14  }
0xa7: {  	v10 =	vmul.f32 $5.000000000e-01, v10;
	v9 =	vsub.f32 v11, v9;
	v12 =	vsub.f32 v12, v43  }
0xa8: {  	v52 =	vmul.f32 v17, v15;
	v51 =	vmul.f32 v16, v47  }
0xa9: {  	v53 =	vmul.f32 $2.121944420e-04, v46;
	v50 =	vadd.f32 v9, v4;
	v10 =	vsub.f32 v12, v10  }
0xaa: {  	v13 =	vmul.f32 $5.000000000e-01, v47;
	v16 =	vmul.f32 v52, v49;
	v9 =	vsub.f32 v51, v48  }
0xab: {  	v54 =	vmul.f32 $6.933593750e-01, v8;
	v4 =	vadd.f32 v50, v7;
	v3 =	vadd.f32 v10, v3  }
0xac: {  	v57 =	vmul.f32 $5.000000000e-01, v49;
	v56 =	vsub.f32 v16, v53;
	v55 =	vsub.f32 v9, v13  }
0xad: {  	v4 =	vadd.f32 v4, v5;
	v3 =	vadd.f32 v3, v54  }
0xae: {  	v6 =	vmul.f32 $6.933593750e-01, v6;
	v59 =	vsub.f32 v56, v57;
	v58 =	vadd.f32 v55, v14  }
0xaf: {  	v3 =	vadd.f32 v3, v4  }
0xb0: {  	v62 =	vmul.f32 $6.933593750e-01, v46;
	v61 =	vadd.f32 v59, v15;
	v60 =	vadd.f32 v58, v6;
	_ =	sdelay $0x1  }
0xb1: {  	v63 =	vadd.f32 v61, v62;
	v3 =	vadd.f32 v60, v3;
	_ =	sdelay $0x1  }
0xb2: {  	s20 =	sadd.s32 $0x1, s20;
	v3 =	vadd.f32 v63, v3  }
0xb3: {  	p0 =	sne.s32 s20, s10  }
.Ltmp1:
0xb4: {  	[tilespmem:$0x2100] =	vst v3;
	(pc) =	sbr.rel @p0 .LBB2_1-.Ltmp1, $4  }
0xb5: {  	[hbm4b:s9+s3] =	stream.linear.scatter [tilespmem:s18], [sflag:$0x2], $0x80, $0x38;
	[tilespmem:$0x2180] =	vst v63  }
0xb6: {  	_ =	swait.ge [sflag:s19], $0x80  }
0xb7: {  	[sflag:s19] =	ssyncset.done $0x0  }
0xb8: {  	[sflag:s19] =	ssyncadd.s32 $0xFFFFFF80  }
0xb9: {  	_ =	sfence.sel $0x180000  }
0xba: {  	[bflag:$0x0] =	sbarrier.arrive $0xFFFF  }
0xbb: {  	p0 =	sne.s32 s1, $0x0;
	_ =	strace $0x90000047  }
0xbc: {  	s0 =	sadd.s32 @!p0 $0x100000, s0;
	[bflag:$0x2] =	sbarrier.arrive $0xFFFF  }
0xbd: {  	[sflag:s0] =	ssyncadd.tile.s32 @!p0 $0x1;
	_ =	shalt  }
.Lfunc_end2:
_tile_overlayer_lowered:
.L_overlay_start_2:
0xbe: {  	(tag) =	ssettag $0x2  }
0xbf: {  	s0 =	rddreg [dreg:$0x0];
	s2 =	stileid.u32  }
0xc0: {  	s1 =	rddreg [dreg:$0x1];
	p0 =	sne.s32 s2, $0x0  }
0xc1: {  	s3 =	rddreg [dreg:$0x2];
	[bflag:$0x3] =	sbarrier.arrive $0xFFFF;
	s2 =	simm.s32 @!p0 $0x1C02  }
0xc2: {  	[timem:s3], [sflag:s2] =	dma.local @!p0 [hbm:s0], s1  }
0xc3: {  	s0 =	simm.s32 @!p0 $0x2  }
0xc4: {  	_ =	swait.ge @!p0 [sflag:s0], s1  }
0xc5: {  	s1 =	ssub.s32 @!p0 $0x0, s1;
	[sflag:s0] =	ssyncset.done @!p0 $0x0  }
0xc6: {  	[sflag:s0] =	ssyncadd.s32 @!p0 s1  }
0xc7: {  	[bflag:$0x3] =	sbarrier.arrive $0xFFFF  }
0xc8: {  	_ =	shalt  }

</sc_bundles>
